<compile_context>
chip_gen: v7x
topology: tpu7x:2x2x1
jax: 0.10.2.dev20260603
libtpu: 0.0.44.dev20260713+nightly
codegen_flags: <defaults>
</compile_context>

<pallas_src>
import functools

import jax
import jax.numpy as jnp
from jax import lax
from jax.experimental import pallas as pl
from jax.experimental.pallas import tpu as pltpu
from jax.experimental.pallas import tpu_sc as plsc

B = 16384
VOCAB = 1000000
EMBED = 64
HID = 256
OUT = 128

NC = 2
NS = 16
NW = NC * NS
B_PER_W = B // NW
CHUNK = 128
N_CHUNKS = B_PER_W // CHUNK
L = 16

KV = 32768
KV_BITS = KV.bit_length() - 1

_sc_mesh = plsc.VectorSubcoreMesh(core_axis_name="c", subcore_axis_name="s")


def _repack_body(xt_ref, o_ref):
    eye = jnp.eye(EMBED, dtype=jnp.float32)
    dn = (((0,), (0,)), ((), ()))
    x = xt_ref[...]
    u = []
    for q in range(4):
        xq = x[:, q * (KV // 4) : (q + 1) * (KV // 4)]
        p = lax.dot_general(xq, eye, dn, preferred_element_type=jnp.float32)
        bits = lax.bitcast_convert_type(p, jnp.uint32)
        u.append((bits + jnp.uint32(0x8000)) >> 16)
    packed = jnp.concatenate(
        [(u[1] << 16) | u[0], (u[3] << 16) | u[2]], axis=1
    )
    o_ref[...] = lax.bitcast_convert_type(packed, jnp.float32)


NBLK = (VOCAB + KV - 1) // KV
T2_ROWS = NBLK * (KV // 4)


def _repack(tableT):
    grid = (NBLK,)
    return pl.pallas_call(
        _repack_body,
        out_shape=jax.ShapeDtypeStruct((T2_ROWS, 2 * EMBED), jnp.float32),
        grid=grid,
        in_specs=[pl.BlockSpec((EMBED, KV), lambda i: (0, i))],
        out_specs=pl.BlockSpec((KV // 4, 2 * EMBED), lambda i: (i, 0)),
    )(tableT)


@functools.partial(
    pl.kernel,
    mesh=_sc_mesh,
    out_type=jax.ShapeDtypeStruct((B, 2 * EMBED), jnp.float32),
    scratch_types=[
        pltpu.VMEM((B_PER_W,), jnp.int32),
        pltpu.VMEM((N_CHUNKS, CHUNK), jnp.int32),
        pltpu.VMEM((B_PER_W, 2 * EMBED), jnp.float32),
        pltpu.SemaphoreType.DMA,
    ],
)
def _sc_gather(idx_hbm, t2_hbm, out_hbm, idx_v, idx2_v, rows_v, sem):
    wid = lax.axis_index("s") * NC + lax.axis_index("c")
    base = wid * B_PER_W
    pltpu.sync_copy(idx_hbm.at[pl.ds(base, B_PER_W)], idx_v)
    for j in range(N_CHUNKS):
        for k in range(CHUNK // L):
            r = idx_v[pl.ds(j * CHUNK + k * L, L)]
            idx2_v[j, pl.ds(k * L, L)] = (
                (r >> KV_BITS) << (KV_BITS - 2)
            ) | (r & (KV // 4 - 1))
    copies = []
    for j in range(N_CHUNKS):
        copies.append(
            pltpu.async_copy(
                t2_hbm.at[idx2_v.at[j]],
                rows_v.at[pl.ds(j * CHUNK, CHUNK)],
                sem,
            )
        )
    for c in copies:
        c.wait()
    pltpu.sync_copy(rows_v, out_hbm.at[pl.ds(base, B_PER_W)])


def _mlp_body(x2_ref, idx_ref, w1_ref, b1_ref, w2_ref, b2_ref, o_ref):
    xi = lax.bitcast_convert_type(x2_ref[...], jnp.uint32)
    q = (idx_ref[...] >> (KV_BITS - 2)) & 3
    cols = jnp.where(q >= 2, xi[:, EMBED:], xi[:, :EMBED])
    bits = jnp.where((q & 1) == 1, cols, cols << 16) & jnp.uint32(0xFFFF0000)
    x = lax.bitcast_convert_type(bits, jnp.float32)
    h = jnp.dot(x, w1_ref[...], preferred_element_type=jnp.float32)
    h = jnp.maximum(h + b1_ref[...], 0.0)
    o = jnp.dot(h, w2_ref[...], preferred_element_type=jnp.float32)
    o_ref[...] = jnp.maximum(o + b2_ref[...], 0.0)


BM = 4096


def _mlp(x2, idx, w1, b1, w2, b2):
    grid = (B // BM,)
    return pl.pallas_call(
        _mlp_body,
        out_shape=jax.ShapeDtypeStruct((B, OUT), jnp.float32),
        grid=grid,
        in_specs=[
            pl.BlockSpec((BM, 2 * EMBED), lambda i: (i, 0)),
            pl.BlockSpec((BM, 1), lambda i: (i, 0)),
            pl.BlockSpec((EMBED, HID), lambda i: (0, 0)),
            pl.BlockSpec((1, HID), lambda i: (0, 0)),
            pl.BlockSpec((HID, OUT), lambda i: (0, 0)),
            pl.BlockSpec((1, OUT), lambda i: (0, 0)),
        ],
        out_specs=pl.BlockSpec((BM, OUT), lambda i: (i, 0)),
    )(x2, idx, w1, b1, w2, b2)


@jax.jit
def kernel(indices, table, W1, b1, W2, b2):
    t2 = _repack(table.T)
    gathered = _sc_gather(indices, t2)
    return _mlp(
        gathered,
        indices.reshape(B, 1),
        W1,
        b1.reshape(1, HID),
        W2,
        b2.reshape(1, OUT),
    )

# --- scband reference (transcript-rebuilt; emitter-appended) ---
"""Pipeline reference for scband-single-branch-net-entity-7026566496687 (READ-ONLY COPY).

The authoritative reference and input builder live on the scoring server;
editing this copy changes nothing except your own understanding.
"""

import jax, jax.numpy as jnp
import numpy as np

B = 16384
VOCAB = 1000000
EMBED = 64          # entity_config.common_modality_dim
HID = 256           # single_branch_hidden_layers
OUT = 128           # shared_common_dim


def setup_inputs(seed: int = 0) -> dict:
    key = jax.random.key(seed)
    k1, k2, k3, k4, k5, k6 = jax.random.split(key, 6)
    indices = jax.random.randint(k1, (B,), 0, VOCAB, dtype=jnp.int32)
    table = jax.random.normal(k2, (VOCAB, EMBED), dtype=jnp.float32) * 0.01
    W1 = jax.random.normal(k3, (EMBED, HID), dtype=jnp.float32) * (1.0 / np.sqrt(EMBED))
    b1 = jnp.zeros((HID,), dtype=jnp.float32)
    W2 = jax.random.normal(k4, (HID, OUT), dtype=jnp.float32) * (1.0 / np.sqrt(HID))
    b2 = jnp.zeros((OUT,), dtype=jnp.float32)
    return {"indices": indices, "table": table, "W1": W1, "b1": b1, "W2": W2, "b2": b2}


def reference(indices, table, W1, b1, W2, b2):
    # FeatureEmbedding (CATEGORICAL): nn.Embedding lookup -> gather
    x = jnp.take(table, indices, axis=0)            # [B, EMBED]
    # sb_net: PolyLinear([common_modality_dim, 256, shared_common_dim],
    #         activation_fn=relu, output_fn=relu (apply_output_activation=True))
    x = jax.nn.relu(x @ W1 + b1)                    # [B, HID]
    x = jax.nn.relu(x @ W2 + b2)                    # [B, OUT]
    return x

if __name__ == "__main__":
    import jax
    _d = setup_inputs()
    print(jax.jit(kernel)(*tuple(_d.values())))

</pallas_src>

<mosaic_0001>
#map = affine_map<(d0, d1) -> (0)>
#map1 = affine_map<(d0, d1) -> (0, 0)>
module attributes {stable_mosaic.version = 14 : i64} {
  func.func @_sc_gather(%arg0: i32, %arg1: i32, %arg2: memref<16384xi32, #tpu.memory_space<hbm>>, %arg3: memref<253952x128xf32, #tpu.memory_space<hbm>>, %arg4: memref<16384x128xf32, #tpu.memory_space<hbm>>, %arg5: memref<512xi32, #tpu.memory_space<vmem>>, %arg6: memref<4x128xi32, #tpu.memory_space<vmem>>, %arg7: memref<512x128xf32, #tpu.memory_space<vmem>>, %arg8: memref<!tpu.dma_semaphore, #tpu.memory_space<semaphore_mem>>) attributes {dimension_semantics = [#tpu.dimension_semantics<core_parallel>, #tpu.dimension_semantics<subcore_parallel>], iteration_bounds = array<i64: 2, 16>, scalar_prefetch = 0 : i64, scratch_operands = 4 : i64, tpu.core_type = #tpu.core_type<sc_vector_subcore>, window_params = [{transform_indices = #map}, {transform_indices = #map1}, {transform_indices = #map1}]} {
    %mul3A = arith.constant 2 : i32
    %mul3A_0 = arith.muli %arg1, %mul3A : i32
    %add3A = arith.addi %mul3A_0, %arg0 : i32
    %mul3A_1 = arith.constant 512 : i32
    %mul3A_2 = arith.muli %add3A, %mul3A_1 : i32
    "tpu.region"() ({
      %run_scoped3A = tpu.sem_alloc : memref<!tpu.dma_semaphore, #tpu.memory_space<semaphore_mem>>
      %dma_start3A_683 = tpu.memref_slice %arg2[%mul3A_2] : memref<16384xi32, #tpu.memory_space<hbm>> -> memref<512xi32, #tpu.memory_space<hbm>>
      %dma_start3A_684 = tpu.memref_slice %arg2[%mul3A_2] : memref<16384xi32, #tpu.memory_space<hbm>> -> memref<512xi32, #tpu.memory_space<hbm>>
      tpu.enqueue_dma source(%dma_start3A_684 : memref<512xi32, #tpu.memory_space<hbm>>) target(%arg5 : memref<512xi32, #tpu.memory_space<vmem>>) target_semaphore(%run_scoped3A : memref<!tpu.dma_semaphore, #tpu.memory_space<semaphore_mem>>)
      %dma_wait3A_685 = tpu.memref_slice %arg2[%mul3A_2] : memref<16384xi32, #tpu.memory_space<hbm>> -> memref<512xi32, #tpu.memory_space<hbm>>
      %dma_wait3A_686 = tpu.memref_slice %arg2[%mul3A_2] : memref<16384xi32, #tpu.memory_space<hbm>> -> memref<512xi32, #tpu.memory_space<hbm>>
      tpu.wait_dma2 semaphore(%run_scoped3A : memref<!tpu.dma_semaphore, #tpu.memory_space<semaphore_mem>>) src(%dma_wait3A_686 : memref<512xi32, #tpu.memory_space<hbm>>) dst(%arg5 : memref<512xi32, #tpu.memory_space<vmem>>)
      tpu.yield
    }) : () -> ()
    %get3A = arith.constant 0 : index
    %get3A_3 = tpu.vector_load %arg5[%get3A] {strides = array<i32>} : memref<512xi32, #tpu.memory_space<vmem>>, vector<16xi32>,
    %get3A_4 = vector.shape_cast %get3A_3 : vector<16xi32> to vector<16xi32>
    %shift_right_arithmetic3A = arith.constant 15 : i32
    %shift_right_arithmetic3A_5 = vector.broadcast %shift_right_arithmetic3A : i32 to vector<16xi32>
    %shift_right_arithmetic3A_6 = arith.shrsi %get3A_4, %shift_right_arithmetic3A_5 : vector<16xi32>
    %shift_left3A = arith.constant 13 : i32
    %shift_left3A_7 = vector.broadcast %shift_left3A : i32 to vector<16xi32>
    %shift_left3A_8 = arith.shli %shift_right_arithmetic3A_6, %shift_left3A_7 : vector<16xi32>
    %and3A = arith.constant 8191 : i32
    %and3A_9 = vector.broadcast %and3A : i32 to vector<16xi32>
    %and3A_10 = arith.andi %get3A_4, %and3A_9 : vector<16xi32>
    %or3A = arith.ori %shift_left3A_8, %and3A_10 : vector<16xi32>
    %swap3A = arith.constant 0 : i32
    %swap3A_11 = arith.index_cast %swap3A : i32 to index
    %swap3A_12 = arith.constant 0 : index
    %swap3A_13 = tpu.vector_load %arg6[%swap3A_11, %swap3A_12] {strides = array<i32>} : memref<4x128xi32, #tpu.memory_space<vmem>>, vector<1x16xi32>,
    %swap3A_14 = vector.shape_cast %swap3A_13 : vector<1x16xi32> to vector<16xi32>
    %swap3A_15 = vector.shape_cast %or3A : vector<16xi32> to vector<1x16xi32>
    tpu.vector_store %arg6[%swap3A_11, %swap3A_12], %swap3A_15 {strides = array<i32>} : memref<4x128xi32, #tpu.memory_space<vmem>>, vector<1x16xi32>,
    %get3A_16 = arith.constant 16 : index
    %get3A_17 = tpu.vector_load %arg5[%get3A_16] {strides = array<i32>} : memref<512xi32, #tpu.memory_space<vmem>>, vector<16xi32>,
    %get3A_18 = vector.shape_cast %get3A_17 : vector<16xi32> to vector<16xi32>
    %shift_right_arithmetic3A_19 = arith.constant 15 : i32
    %shift_right_arithmetic3A_20 = vector.broadcast %shift_right_arithmetic3A_19 : i32 to vector<16xi32>
    %shift_right_arithmetic3A_21 = arith.shrsi %get3A_18, %shift_right_arithmetic3A_20 : vector<16xi32>
    %shift_left3A_22 = arith.constant 13 : i32
    %shift_left3A_23 = vector.broadcast %shift_left3A_22 : i32 to vector<16xi32>
    %shift_left3A_24 = arith.shli %shift_right_arithmetic3A_21, %shift_left3A_23 : vector<16xi32>
    %and3A_25 = arith.constant 8191 : i32
    %and3A_26 = vector.broadcast %and3A_25 : i32 to vector<16xi32>
    %and3A_27 = arith.andi %get3A_18, %and3A_26 : vector<16xi32>
    %or3A_28 = arith.ori %shift_left3A_24, %and3A_27 : vector<16xi32>
    %swap3A_29 = arith.constant 0 : i32
    %swap3A_30 = arith.index_cast %swap3A_29 : i32 to index
    %swap3A_31 = arith.constant 16 : index
    %swap3A_32 = tpu.vector_load %arg6[%swap3A_30, %swap3A_31] {strides = array<i32>} : memref<4x128xi32, #tpu.memory_space<vmem>>, vector<1x16xi32>,
    %swap3A_33 = vector.shape_cast %swap3A_32 : vector<1x16xi32> to vector<16xi32>
    %swap3A_34 = vector.shape_cast %or3A_28 : vector<16xi32> to vector<1x16xi32>
    tpu.vector_store %arg6[%swap3A_30, %swap3A_31], %swap3A_34 {strides = array<i32>} : memref<4x128xi32, #tpu.memory_space<vmem>>, vector<1x16xi32>,
    %get3A_35 = arith.constant 32 : index
    %get3A_36 = tpu.vector_load %arg5[%get3A_35] {strides = array<i32>} : memref<512xi32, #tpu.memory_space<vmem>>, vector<16xi32>,
    %get3A_37 = vector.shape_cast %get3A_36 : vector<16xi32> to vector<16xi32>
    %shift_right_arithmetic3A_38 = arith.constant 15 : i32
    %shift_right_arithmetic3A_39 = vector.broadcast %shift_right_arithmetic3A_38 : i32 to vector<16xi32>
    %shift_right_arithmetic3A_40 = arith.shrsi %get3A_37, %shift_right_arithmetic3A_39 : vector<16xi32>
    %shift_left3A_41 = arith.constant 13 : i32
    %shift_left3A_42 = vector.broadcast %shift_left3A_41 : i32 to vector<16xi32>
    %shift_left3A_43 = arith.shli %shift_right_arithmetic3A_40, %shift_left3A_42 : vector<16xi32>
    %and3A_44 = arith.constant 8191 : i32
    %and3A_45 = vector.broadcast %and3A_44 : i32 to vector<16xi32>
    %and3A_46 = arith.andi %get3A_37, %and3A_45 : vector<16xi32>
    %or3A_47 = arith.ori %shift_left3A_43, %and3A_46 : vector<16xi32>
    %swap3A_48 = arith.constant 0 : i32
    %swap3A_49 = arith.index_cast %swap3A_48 : i32 to index
    %swap3A_50 = arith.constant 32 : index
    %swap3A_51 = tpu.vector_load %arg6[%swap3A_49, %swap3A_50] {strides = array<i32>} : memref<4x128xi32, #tpu.memory_space<vmem>>, vector<1x16xi32>,
    %swap3A_52 = vector.shape_cast %swap3A_51 : vector<1x16xi32> to vector<16xi32>
    %swap3A_53 = vector.shape_cast %or3A_47 : vector<16xi32> to vector<1x16xi32>
    tpu.vector_store %arg6[%swap3A_49, %swap3A_50], %swap3A_53 {strides = array<i32>} : memref<4x128xi32, #tpu.memory_space<vmem>>, vector<1x16xi32>,
    %get3A_54 = arith.constant 48 : index
    %get3A_55 = tpu.vector_load %arg5[%get3A_54] {strides = array<i32>} : memref<512xi32, #tpu.memory_space<vmem>>, vector<16xi32>,
    %get3A_56 = vector.shape_cast %get3A_55 : vector<16xi32> to vector<16xi32>
    %shift_right_arithmetic3A_57 = arith.constant 15 : i32
    %shift_right_arithmetic3A_58 = vector.broadcast %shift_right_arithmetic3A_57 : i32 to vector<16xi32>
    %shift_right_arithmetic3A_59 = arith.shrsi %get3A_56, %shift_right_arithmetic3A_58 : vector<16xi32>
    %shift_left3A_60 = arith.constant 13 : i32
    %shift_left3A_61 = vector.broadcast %shift_left3A_60 : i32 to vector<16xi32>
    %shift_left3A_62 = arith.shli %shift_right_arithmetic3A_59, %shift_left3A_61 : vector<16xi32>
    %and3A_63 = arith.constant 8191 : i32
    %and3A_64 = vector.broadcast %and3A_63 : i32 to vector<16xi32>
    %and3A_65 = arith.andi %get3A_56, %and3A_64 : vector<16xi32>
    %or3A_66 = arith.ori %shift_left3A_62, %and3A_65 : vector<16xi32>
    %swap3A_67 = arith.constant 0 : i32
    %swap3A_68 = arith.index_cast %swap3A_67 : i32 to index
    %swap3A_69 = arith.constant 48 : index
    %swap3A_70 = tpu.vector_load %arg6[%swap3A_68, %swap3A_69] {strides = array<i32>} : memref<4x128xi32, #tpu.memory_space<vmem>>, vector<1x16xi32>,
    %swap3A_71 = vector.shape_cast %swap3A_70 : vector<1x16xi32> to vector<16xi32>
    %swap3A_72 = vector.shape_cast %or3A_66 : vector<16xi32> to vector<1x16xi32>
    tpu.vector_store %arg6[%swap3A_68, %swap3A_69], %swap3A_72 {strides = array<i32>} : memref<4x128xi32, #tpu.memory_space<vmem>>, vector<1x16xi32>,
    %get3A_73 = arith.constant 64 : index
    %get3A_74 = tpu.vector_load %arg5[%get3A_73] {strides = array<i32>} : memref<512xi32, #tpu.memory_space<vmem>>, vector<16xi32>,
    %get3A_75 = vector.shape_cast %get3A_74 : vector<16xi32> to vector<16xi32>
    %shift_right_arithmetic3A_76 = arith.constant 15 : i32
    %shift_right_arithmetic3A_77 = vector.broadcast %shift_right_arithmetic3A_76 : i32 to vector<16xi32>
    %shift_right_arithmetic3A_78 = arith.shrsi %get3A_75, %shift_right_arithmetic3A_77 : vector<16xi32>
    %shift_left3A_79 = arith.constant 13 : i32
    %shift_left3A_80 = vector.broadcast %shift_left3A_79 : i32 to vector<16xi32>
    %shift_left3A_81 = arith.shli %shift_right_arithmetic3A_78, %shift_left3A_80 : vector<16xi32>
    %and3A_82 = arith.constant 8191 : i32
    %and3A_83 = vector.broadcast %and3A_82 : i32 to vector<16xi32>
    %and3A_84 = arith.andi %get3A_75, %and3A_83 : vector<16xi32>
    %or3A_85 = arith.ori %shift_left3A_81, %and3A_84 : vector<16xi32>
    %swap3A_86 = arith.constant 0 : i32
    %swap3A_87 = arith.index_cast %swap3A_86 : i32 to index
    %swap3A_88 = arith.constant 64 : index
    %swap3A_89 = tpu.vector_load %arg6[%swap3A_87, %swap3A_88] {strides = array<i32>} : memref<4x128xi32, #tpu.memory_space<vmem>>, vector<1x16xi32>,
    %swap3A_90 = vector.shape_cast %swap3A_89 : vector<1x16xi32> to vector<16xi32>
    %swap3A_91 = vector.shape_cast %or3A_85 : vector<16xi32> to vector<1x16xi32>
    tpu.vector_store %arg6[%swap3A_87, %swap3A_88], %swap3A_91 {strides = array<i32>} : memref<4x128xi32, #tpu.memory_space<vmem>>, vector<1x16xi32>,
    %get3A_92 = arith.constant 80 : index
    %get3A_93 = tpu.vector_load %arg5[%get3A_92] {strides = array<i32>} : memref<512xi32, #tpu.memory_space<vmem>>, vector<16xi32>,
    %get3A_94 = vector.shape_cast %get3A_93 : vector<16xi32> to vector<16xi32>
    %shift_right_arithmetic3A_95 = arith.constant 15 : i32
    %shift_right_arithmetic3A_96 = vector.broadcast %shift_right_arithmetic3A_95 : i32 to vector<16xi32>
    %shift_right_arithmetic3A_97 = arith.shrsi %get3A_94, %shift_right_arithmetic3A_96 : vector<16xi32>
    %shift_left3A_98 = arith.constant 13 : i32
    %shift_left3A_99 = vector.broadcast %shift_left3A_98 : i32 to vector<16xi32>
    %shift_left3A_100 = arith.shli %shift_right_arithmetic3A_97, %shift_left3A_99 : vector<16xi32>
    %and3A_101 = arith.constant 8191 : i32
    %and3A_102 = vector.broadcast %and3A_101 : i32 to vector<16xi32>
    %and3A_103 = arith.andi %get3A_94, %and3A_102 : vector<16xi32>
    %or3A_104 = arith.ori %shift_left3A_100, %and3A_103 : vector<16xi32>
    %swap3A_105 = arith.constant 0 : i32
    %swap3A_106 = arith.index_cast %swap3A_105 : i32 to index
    %swap3A_107 = arith.constant 80 : index
    %swap3A_108 = tpu.vector_load %arg6[%swap3A_106, %swap3A_107] {strides = array<i32>} : memref<4x128xi32, #tpu.memory_space<vmem>>, vector<1x16xi32>,
    %swap3A_109 = vector.shape_cast %swap3A_108 : vector<1x16xi32> to vector<16xi32>
    %swap3A_110 = vector.shape_cast %or3A_104 : vector<16xi32> to vector<1x16xi32>
    tpu.vector_store %arg6[%swap3A_106, %swap3A_107], %swap3A_110 {strides = array<i32>} : memref<4x128xi32, #tpu.memory_space<vmem>>, vector<1x16xi32>,
    %get3A_111 = arith.constant 96 : index
    %get3A_112 = tpu.vector_load %arg5[%get3A_111] {strides = array<i32>} : memref<512xi32, #tpu.memory_space<vmem>>, vector<16xi32>,
    %get3A_113 = vector.shape_cast %get3A_112 : vector<16xi32> to vector<16xi32>
    %shift_right_arithmetic3A_114 = arith.constant 15 : i32
    %shift_right_arithmetic3A_115 = vector.broadcast %shift_right_arithmetic3A_114 : i32 to vector<16xi32>
    %shift_right_arithmetic3A_116 = arith.shrsi %get3A_113, %shift_right_arithmetic3A_115 : vector<16xi32>
    %shift_left3A_117 = arith.constant 13 : i32
    %shift_left3A_118 = vector.broadcast %shift_left3A_117 : i32 to vector<16xi32>
    %shift_left3A_119 = arith.shli %shift_right_arithmetic3A_116, %shift_left3A_118 : vector<16xi32>
    %and3A_120 = arith.constant 8191 : i32
    %and3A_121 = vector.broadcast %and3A_120 : i32 to vector<16xi32>
    %and3A_122 = arith.andi %get3A_113, %and3A_121 : vector<16xi32>
    %or3A_123 = arith.ori %shift_left3A_119, %and3A_122 : vector<16xi32>
    %swap3A_124 = arith.constant 0 : i32
    %swap3A_125 = arith.index_cast %swap3A_124 : i32 to index
    %swap3A_126 = arith.constant 96 : index
    %swap3A_127 = tpu.vector_load %arg6[%swap3A_125, %swap3A_126] {strides = array<i32>} : memref<4x128xi32, #tpu.memory_space<vmem>>, vector<1x16xi32>,
    %swap3A_128 = vector.shape_cast %swap3A_127 : vector<1x16xi32> to vector<16xi32>
    %swap3A_129 = vector.shape_cast %or3A_123 : vector<16xi32> to vector<1x16xi32>
    tpu.vector_store %arg6[%swap3A_125, %swap3A_126], %swap3A_129 {strides = array<i32>} : memref<4x128xi32, #tpu.memory_space<vmem>>, vector<1x16xi32>,
    %get3A_130 = arith.constant 112 : index
    %get3A_131 = tpu.vector_load %arg5[%get3A_130] {strides = array<i32>} : memref<512xi32, #tpu.memory_space<vmem>>, vector<16xi32>,
    %get3A_132 = vector.shape_cast %get3A_131 : vector<16xi32> to vector<16xi32>
    %shift_right_arithmetic3A_133 = arith.constant 15 : i32
    %shift_right_arithmetic3A_134 = vector.broadcast %shift_right_arithmetic3A_133 : i32 to vector<16xi32>
    %shift_right_arithmetic3A_135 = arith.shrsi %get3A_132, %shift_right_arithmetic3A_134 : vector<16xi32>
    %shift_left3A_136 = arith.constant 13 : i32
    %shift_left3A_137 = vector.broadcast %shift_left3A_136 : i32 to vector<16xi32>
    %shift_left3A_138 = arith.shli %shift_right_arithmetic3A_135, %shift_left3A_137 : vector<16xi32>
    %and3A_139 = arith.constant 8191 : i32
    %and3A_140 = vector.broadcast %and3A_139 : i32 to vector<16xi32>
    %and3A_141 = arith.andi %get3A_132, %and3A_140 : vector<16xi32>
    %or3A_142 = arith.ori %shift_left3A_138, %and3A_141 : vector<16xi32>
    %swap3A_143 = arith.constant 0 : i32
    %swap3A_144 = arith.index_cast %swap3A_143 : i32 to index
    %swap3A_145 = arith.constant 112 : index
    %swap3A_146 = tpu.vector_load %arg6[%swap3A_144, %swap3A_145] {strides = array<i32>} : memref<4x128xi32, #tpu.memory_space<vmem>>, vector<1x16xi32>,
    %swap3A_147 = vector.shape_cast %swap3A_146 : vector<1x16xi32> to vector<16xi32>
    %swap3A_148 = vector.shape_cast %or3A_142 : vector<16xi32> to vector<1x16xi32>
    tpu.vector_store %arg6[%swap3A_144, %swap3A_145], %swap3A_148 {strides = array<i32>} : memref<4x128xi32, #tpu.memory_space<vmem>>, vector<1x16xi32>,
    %get3A_149 = arith.constant 128 : index
    %get3A_150 = tpu.vector_load %arg5[%get3A_149] {strides = array<i32>} : memref<512xi32, #tpu.memory_space<vmem>>, vector<16xi32>,
    %get3A_151 = vector.shape_cast %get3A_150 : vector<16xi32> to vector<16xi32>
    %shift_right_arithmetic3A_152 = arith.constant 15 : i32
    %shift_right_arithmetic3A_153 = vector.broadcast %shift_right_arithmetic3A_152 : i32 to vector<16xi32>
    %shift_right_arithmetic3A_154 = arith.shrsi %get3A_151, %shift_right_arithmetic3A_153 : vector<16xi32>
    %shift_left3A_155 = arith.constant 13 : i32
    %shift_left3A_156 = vector.broadcast %shift_left3A_155 : i32 to vector<16xi32>
    %shift_left3A_157 = arith.shli %shift_right_arithmetic3A_154, %shift_left3A_156 : vector<16xi32>
    %and3A_158 = arith.constant 8191 : i32
    %and3A_159 = vector.broadcast %and3A_158 : i32 to vector<16xi32>
    %and3A_160 = arith.andi %get3A_151, %and3A_159 : vector<16xi32>
    %or3A_161 = arith.ori %shift_left3A_157, %and3A_160 : vector<16xi32>
    %swap3A_162 = arith.constant 1 : i32
    %swap3A_163 = arith.index_cast %swap3A_162 : i32 to index
    %swap3A_164 = arith.constant 0 : index
    %swap3A_165 = tpu.vector_load %arg6[%swap3A_163, %swap3A_164] {strides = array<i32>} : memref<4x128xi32, #tpu.memory_space<vmem>>, vector<1x16xi32>,
    %swap3A_166 = vector.shape_cast %swap3A_165 : vector<1x16xi32> to vector<16xi32>
    %swap3A_167 = vector.shape_cast %or3A_161 : vector<16xi32> to vector<1x16xi32>
    tpu.vector_store %arg6[%swap3A_163, %swap3A_164], %swap3A_167 {strides = array<i32>} : memref<4x128xi32, #tpu.memory_space<vmem>>, vector<1x16xi32>,
    %get3A_168 = arith.constant 144 : index
    %get3A_169 = tpu.vector_load %arg5[%get3A_168] {strides = array<i32>} : memref<512xi32, #tpu.memory_space<vmem>>, vector<16xi32>,
    %get3A_170 = vector.shape_cast %get3A_169 : vector<16xi32> to vector<16xi32>
    %shift_right_arithmetic3A_171 = arith.constant 15 : i32
    %shift_right_arithmetic3A_172 = vector.broadcast %shift_right_arithmetic3A_171 : i32 to vector<16xi32>
    %shift_right_arithmetic3A_173 = arith.shrsi %get3A_170, %shift_right_arithmetic3A_172 : vector<16xi32>
    %shift_left3A_174 = arith.constant 13 : i32
    %shift_left3A_175 = vector.broadcast %shift_left3A_174 : i32 to vector<16xi32>
    %shift_left3A_176 = arith.shli %shift_right_arithmetic3A_173, %shift_left3A_175 : vector<16xi32>
    %and3A_177 = arith.constant 8191 : i32
    %and3A_178 = vector.broadcast %and3A_177 : i32 to vector<16xi32>
    %and3A_179 = arith.andi %get3A_170, %and3A_178 : vector<16xi32>
    %or3A_180 = arith.ori %shift_left3A_176, %and3A_179 : vector<16xi32>
    %swap3A_181 = arith.constant 1 : i32
    %swap3A_182 = arith.index_cast %swap3A_181 : i32 to index
    %swap3A_183 = arith.constant 16 : index
    %swap3A_184 = tpu.vector_load %arg6[%swap3A_182, %swap3A_183] {strides = array<i32>} : memref<4x128xi32, #tpu.memory_space<vmem>>, vector<1x16xi32>,
    %swap3A_185 = vector.shape_cast %swap3A_184 : vector<1x16xi32> to vector<16xi32>
    %swap3A_186 = vector.shape_cast %or3A_180 : vector<16xi32> to vector<1x16xi32>
    tpu.vector_store %arg6[%swap3A_182, %swap3A_183], %swap3A_186 {strides = array<i32>} : memref<4x128xi32, #tpu.memory_space<vmem>>, vector<1x16xi32>,
    %get3A_187 = arith.constant 160 : index
    %get3A_188 = tpu.vector_load %arg5[%get3A_187] {strides = array<i32>} : memref<512xi32, #tpu.memory_space<vmem>>, vector<16xi32>,
    %get3A_189 = vector.shape_cast %get3A_188 : vector<16xi32> to vector<16xi32>
    %shift_right_arithmetic3A_190 = arith.constant 15 : i32
    %shift_right_arithmetic3A_191 = vector.broadcast %shift_right_arithmetic3A_190 : i32 to vector<16xi32>
    %shift_right_arithmetic3A_192 = arith.shrsi %get3A_189, %shift_right_arithmetic3A_191 : vector<16xi32>
    %shift_left3A_193 = arith.constant 13 : i32
    %shift_left3A_194 = vector.broadcast %shift_left3A_193 : i32 to vector<16xi32>
    %shift_left3A_195 = arith.shli %shift_right_arithmetic3A_192, %shift_left3A_194 : vector<16xi32>
    %and3A_196 = arith.constant 8191 : i32
    %and3A_197 = vector.broadcast %and3A_196 : i32 to vector<16xi32>
    %and3A_198 = arith.andi %get3A_189, %and3A_197 : vector<16xi32>
    %or3A_199 = arith.ori %shift_left3A_195, %and3A_198 : vector<16xi32>
    %swap3A_200 = arith.constant 1 : i32
    %swap3A_201 = arith.index_cast %swap3A_200 : i32 to index
    %swap3A_202 = arith.constant 32 : index
    %swap3A_203 = tpu.vector_load %arg6[%swap3A_201, %swap3A_202] {strides = array<i32>} : memref<4x128xi32, #tpu.memory_space<vmem>>, vector<1x16xi32>,
    %swap3A_204 = vector.shape_cast %swap3A_203 : vector<1x16xi32> to vector<16xi32>
    %swap3A_205 = vector.shape_cast %or3A_199 : vector<16xi32> to vector<1x16xi32>
    tpu.vector_store %arg6[%swap3A_201, %swap3A_202], %swap3A_205 {strides = array<i32>} : memref<4x128xi32, #tpu.memory_space<vmem>>, vector<1x16xi32>,
    %get3A_206 = arith.constant 176 : index
    %get3A_207 = tpu.vector_load %arg5[%get3A_206] {strides = array<i32>} : memref<512xi32, #tpu.memory_space<vmem>>, vector<16xi32>,
    %get3A_208 = vector.shape_cast %get3A_207 : vector<16xi32> to vector<16xi32>
    %shift_right_arithmetic3A_209 = arith.constant 15 : i32
    %shift_right_arithmetic3A_210 = vector.broadcast %shift_right_arithmetic3A_209 : i32 to vector<16xi32>
    %shift_right_arithmetic3A_211 = arith.shrsi %get3A_208, %shift_right_arithmetic3A_210 : vector<16xi32>
    %shift_left3A_212 = arith.constant 13 : i32
    %shift_left3A_213 = vector.broadcast %shift_left3A_212 : i32 to vector<16xi32>
    %shift_left3A_214 = arith.shli %shift_right_arithmetic3A_211, %shift_left3A_213 : vector<16xi32>
    %and3A_215 = arith.constant 8191 : i32
    %and3A_216 = vector.broadcast %and3A_215 : i32 to vector<16xi32>
    %and3A_217 = arith.andi %get3A_208, %and3A_216 : vector<16xi32>
    %or3A_218 = arith.ori %shift_left3A_214, %and3A_217 : vector<16xi32>
    %swap3A_219 = arith.constant 1 : i32
    %swap3A_220 = arith.index_cast %swap3A_219 : i32 to index
    %swap3A_221 = arith.constant 48 : index
    %swap3A_222 = tpu.vector_load %arg6[%swap3A_220, %swap3A_221] {strides = array<i32>} : memref<4x128xi32, #tpu.memory_space<vmem>>, vector<1x16xi32>,
    %swap3A_223 = vector.shape_cast %swap3A_222 : vector<1x16xi32> to vector<16xi32>
    %swap3A_224 = vector.shape_cast %or3A_218 : vector<16xi32> to vector<1x16xi32>
    tpu.vector_store %arg6[%swap3A_220, %swap3A_221], %swap3A_224 {strides = array<i32>} : memref<4x128xi32, #tpu.memory_space<vmem>>, vector<1x16xi32>,
    %get3A_225 = arith.constant 192 : index
    %get3A_226 = tpu.vector_load %arg5[%get3A_225] {strides = array<i32>} : memref<512xi32, #tpu.memory_space<vmem>>, vector<16xi32>,
    %get3A_227 = vector.shape_cast %get3A_226 : vector<16xi32> to vector<16xi32>
    %shift_right_arithmetic3A_228 = arith.constant 15 : i32
    %shift_right_arithmetic3A_229 = vector.broadcast %shift_right_arithmetic3A_228 : i32 to vector<16xi32>
    %shift_right_arithmetic3A_230 = arith.shrsi %get3A_227, %shift_right_arithmetic3A_229 : vector<16xi32>
    %shift_left3A_231 = arith.constant 13 : i32
    %shift_left3A_232 = vector.broadcast %shift_left3A_231 : i32 to vector<16xi32>
    %shift_left3A_233 = arith.shli %shift_right_arithmetic3A_230, %shift_left3A_232 : vector<16xi32>
    %and3A_234 = arith.constant 8191 : i32
    %and3A_235 = vector.broadcast %and3A_234 : i32 to vector<16xi32>
    %and3A_236 = arith.andi %get3A_227, %and3A_235 : vector<16xi32>
    %or3A_237 = arith.ori %shift_left3A_233, %and3A_236 : vector<16xi32>
    %swap3A_238 = arith.constant 1 : i32
    %swap3A_239 = arith.index_cast %swap3A_238 : i32 to index
    %swap3A_240 = arith.constant 64 : index
    %swap3A_241 = tpu.vector_load %arg6[%swap3A_239, %swap3A_240] {strides = array<i32>} : memref<4x128xi32, #tpu.memory_space<vmem>>, vector<1x16xi32>,
    %swap3A_242 = vector.shape_cast %swap3A_241 : vector<1x16xi32> to vector<16xi32>
    %swap3A_243 = vector.shape_cast %or3A_237 : vector<16xi32> to vector<1x16xi32>
    tpu.vector_store %arg6[%swap3A_239, %swap3A_240], %swap3A_243 {strides = array<i32>} : memref<4x128xi32, #tpu.memory_space<vmem>>, vector<1x16xi32>,
    %get3A_244 = arith.constant 208 : index
    %get3A_245 = tpu.vector_load %arg5[%get3A_244] {strides = array<i32>} : memref<512xi32, #tpu.memory_space<vmem>>, vector<16xi32>,
    %get3A_246 = vector.shape_cast %get3A_245 : vector<16xi32> to vector<16xi32>
    %shift_right_arithmetic3A_247 = arith.constant 15 : i32
    %shift_right_arithmetic3A_248 = vector.broadcast %shift_right_arithmetic3A_247 : i32 to vector<16xi32>
    %shift_right_arithmetic3A_249 = arith.shrsi %get3A_246, %shift_right_arithmetic3A_248 : vector<16xi32>
    %shift_left3A_250 = arith.constant 13 : i32
    %shift_left3A_251 = vector.broadcast %shift_left3A_250 : i32 to vector<16xi32>
    %shift_left3A_252 = arith.shli %shift_right_arithmetic3A_249, %shift_left3A_251 : vector<16xi32>
    %and3A_253 = arith.constant 8191 : i32
    %and3A_254 = vector.broadcast %and3A_253 : i32 to vector<16xi32>
    %and3A_255 = arith.andi %get3A_246, %and3A_254 : vector<16xi32>
    %or3A_256 = arith.ori %shift_left3A_252, %and3A_255 : vector<16xi32>
    %swap3A_257 = arith.constant 1 : i32
    %swap3A_258 = arith.index_cast %swap3A_257 : i32 to index
    %swap3A_259 = arith.constant 80 : index
    %swap3A_260 = tpu.vector_load %arg6[%swap3A_258, %swap3A_259] {strides = array<i32>} : memref<4x128xi32, #tpu.memory_space<vmem>>, vector<1x16xi32>,
    %swap3A_261 = vector.shape_cast %swap3A_260 : vector<1x16xi32> to vector<16xi32>
    %swap3A_262 = vector.shape_cast %or3A_256 : vector<16xi32> to vector<1x16xi32>
    tpu.vector_store %arg6[%swap3A_258, %swap3A_259], %swap3A_262 {strides = array<i32>} : memref<4x128xi32, #tpu.memory_space<vmem>>, vector<1x16xi32>,
    %get3A_263 = arith.constant 224 : index
    %get3A_264 = tpu.vector_load %arg5[%get3A_263] {strides = array<i32>} : memref<512xi32, #tpu.memory_space<vmem>>, vector<16xi32>,
    %get3A_265 = vector.shape_cast %get3A_264 : vector<16xi32> to vector<16xi32>
    %shift_right_arithmetic3A_266 = arith.constant 15 : i32
    %shift_right_arithmetic3A_267 = vector.broadcast %shift_right_arithmetic3A_266 : i32 to vector<16xi32>
    %shift_right_arithmetic3A_268 = arith.shrsi %get3A_265, %shift_right_arithmetic3A_267 : vector<16xi32>
    %shift_left3A_269 = arith.constant 13 : i32
    %shift_left3A_270 = vector.broadcast %shift_left3A_269 : i32 to vector<16xi32>
    %shift_left3A_271 = arith.shli %shift_right_arithmetic3A_268, %shift_left3A_270 : vector<16xi32>
    %and3A_272 = arith.constant 8191 : i32
    %and3A_273 = vector.broadcast %and3A_272 : i32 to vector<16xi32>
    %and3A_274 = arith.andi %get3A_265, %and3A_273 : vector<16xi32>
    %or3A_275 = arith.ori %shift_left3A_271, %and3A_274 : vector<16xi32>
    %swap3A_276 = arith.constant 1 : i32
    %swap3A_277 = arith.index_cast %swap3A_276 : i32 to index
    %swap3A_278 = arith.constant 96 : index
    %swap3A_279 = tpu.vector_load %arg6[%swap3A_277, %swap3A_278] {strides = array<i32>} : memref<4x128xi32, #tpu.memory_space<vmem>>, vector<1x16xi32>,
    %swap3A_280 = vector.shape_cast %swap3A_279 : vector<1x16xi32> to vector<16xi32>
    %swap3A_281 = vector.shape_cast %or3A_275 : vector<16xi32> to vector<1x16xi32>
    tpu.vector_store %arg6[%swap3A_277, %swap3A_278], %swap3A_281 {strides = array<i32>} : memref<4x128xi32, #tpu.memory_space<vmem>>, vector<1x16xi32>,
    %get3A_282 = arith.constant 240 : index
    %get3A_283 = tpu.vector_load %arg5[%get3A_282] {strides = array<i32>} : memref<512xi32, #tpu.memory_space<vmem>>, vector<16xi32>,
    %get3A_284 = vector.shape_cast %get3A_283 : vector<16xi32> to vector<16xi32>
    %shift_right_arithmetic3A_285 = arith.constant 15 : i32
    %shift_right_arithmetic3A_286 = vector.broadcast %shift_right_arithmetic3A_285 : i32 to vector<16xi32>
    %shift_right_arithmetic3A_287 = arith.shrsi %get3A_284, %shift_right_arithmetic3A_286 : vector<16xi32>
    %shift_left3A_288 = arith.constant 13 : i32
    %shift_left3A_289 = vector.broadcast %shift_left3A_288 : i32 to vector<16xi32>
    %shift_left3A_290 = arith.shli %shift_right_arithmetic3A_287, %shift_left3A_289 : vector<16xi32>
    %and3A_291 = arith.constant 8191 : i32
    %and3A_292 = vector.broadcast %and3A_291 : i32 to vector<16xi32>
    %and3A_293 = arith.andi %get3A_284, %and3A_292 : vector<16xi32>
    %or3A_294 = arith.ori %shift_left3A_290, %and3A_293 : vector<16xi32>
    %swap3A_295 = arith.constant 1 : i32
    %swap3A_296 = arith.index_cast %swap3A_295 : i32 to index
    %swap3A_297 = arith.constant 112 : index
    %swap3A_298 = tpu.vector_load %arg6[%swap3A_296, %swap3A_297] {strides = array<i32>} : memref<4x128xi32, #tpu.memory_space<vmem>>, vector<1x16xi32>,
    %swap3A_299 = vector.shape_cast %swap3A_298 : vector<1x16xi32> to vector<16xi32>
    %swap3A_300 = vector.shape_cast %or3A_294 : vector<16xi32> to vector<1x16xi32>
    tpu.vector_store %arg6[%swap3A_296, %swap3A_297], %swap3A_300 {strides = array<i32>} : memref<4x128xi32, #tpu.memory_space<vmem>>, vector<1x16xi32>,
    %get3A_301 = arith.constant 256 : index
    %get3A_302 = tpu.vector_load %arg5[%get3A_301] {strides = array<i32>} : memref<512xi32, #tpu.memory_space<vmem>>, vector<16xi32>,
    %get3A_303 = vector.shape_cast %get3A_302 : vector<16xi32> to vector<16xi32>
    %shift_right_arithmetic3A_304 = arith.constant 15 : i32
    %shift_right_arithmetic3A_305 = vector.broadcast %shift_right_arithmetic3A_304 : i32 to vector<16xi32>
    %shift_right_arithmetic3A_306 = arith.shrsi %get3A_303, %shift_right_arithmetic3A_305 : vector<16xi32>
    %shift_left3A_307 = arith.constant 13 : i32
    %shift_left3A_308 = vector.broadcast %shift_left3A_307 : i32 to vector<16xi32>
    %shift_left3A_309 = arith.shli %shift_right_arithmetic3A_306, %shift_left3A_308 : vector<16xi32>
    %and3A_310 = arith.constant 8191 : i32
    %and3A_311 = vector.broadcast %and3A_310 : i32 to vector<16xi32>
    %and3A_312 = arith.andi %get3A_303, %and3A_311 : vector<16xi32>
    %or3A_313 = arith.ori %shift_left3A_309, %and3A_312 : vector<16xi32>
    %swap3A_314 = arith.constant 2 : i32
    %swap3A_315 = arith.index_cast %swap3A_314 : i32 to index
    %swap3A_316 = arith.constant 0 : index
    %swap3A_317 = tpu.vector_load %arg6[%swap3A_315, %swap3A_316] {strides = array<i32>} : memref<4x128xi32, #tpu.memory_space<vmem>>, vector<1x16xi32>,
    %swap3A_318 = vector.shape_cast %swap3A_317 : vector<1x16xi32> to vector<16xi32>
    %swap3A_319 = vector.shape_cast %or3A_313 : vector<16xi32> to vector<1x16xi32>
    tpu.vector_store %arg6[%swap3A_315, %swap3A_316], %swap3A_319 {strides = array<i32>} : memref<4x128xi32, #tpu.memory_space<vmem>>, vector<1x16xi32>,
    %get3A_320 = arith.constant 272 : index
    %get3A_321 = tpu.vector_load %arg5[%get3A_320] {strides = array<i32>} : memref<512xi32, #tpu.memory_space<vmem>>, vector<16xi32>,
    %get3A_322 = vector.shape_cast %get3A_321 : vector<16xi32> to vector<16xi32>
    %shift_right_arithmetic3A_323 = arith.constant 15 : i32
    %shift_right_arithmetic3A_324 = vector.broadcast %shift_right_arithmetic3A_323 : i32 to vector<16xi32>
    %shift_right_arithmetic3A_325 = arith.shrsi %get3A_322, %shift_right_arithmetic3A_324 : vector<16xi32>
    %shift_left3A_326 = arith.constant 13 : i32
    %shift_left3A_327 = vector.broadcast %shift_left3A_326 : i32 to vector<16xi32>
    %shift_left3A_328 = arith.shli %shift_right_arithmetic3A_325, %shift_left3A_327 : vector<16xi32>
    %and3A_329 = arith.constant 8191 : i32
    %and3A_330 = vector.broadcast %and3A_329 : i32 to vector<16xi32>
    %and3A_331 = arith.andi %get3A_322, %and3A_330 : vector<16xi32>
    %or3A_332 = arith.ori %shift_left3A_328, %and3A_331 : vector<16xi32>
    %swap3A_333 = arith.constant 2 : i32
    %swap3A_334 = arith.index_cast %swap3A_333 : i32 to index
    %swap3A_335 = arith.constant 16 : index
    %swap3A_336 = tpu.vector_load %arg6[%swap3A_334, %swap3A_335] {strides = array<i32>} : memref<4x128xi32, #tpu.memory_space<vmem>>, vector<1x16xi32>,
    %swap3A_337 = vector.shape_cast %swap3A_336 : vector<1x16xi32> to vector<16xi32>
    %swap3A_338 = vector.shape_cast %or3A_332 : vector<16xi32> to vector<1x16xi32>
    tpu.vector_store %arg6[%swap3A_334, %swap3A_335], %swap3A_338 {strides = array<i32>} : memref<4x128xi32, #tpu.memory_space<vmem>>, vector<1x16xi32>,
    %get3A_339 = arith.constant 288 : index
    %get3A_340 = tpu.vector_load %arg5[%get3A_339] {strides = array<i32>} : memref<512xi32, #tpu.memory_space<vmem>>, vector<16xi32>,
    %get3A_341 = vector.shape_cast %get3A_340 : vector<16xi32> to vector<16xi32>
    %shift_right_arithmetic3A_342 = arith.constant 15 : i32
    %shift_right_arithmetic3A_343 = vector.broadcast %shift_right_arithmetic3A_342 : i32 to vector<16xi32>
    %shift_right_arithmetic3A_344 = arith.shrsi %get3A_341, %shift_right_arithmetic3A_343 : vector<16xi32>
    %shift_left3A_345 = arith.constant 13 : i32
    %shift_left3A_346 = vector.broadcast %shift_left3A_345 : i32 to vector<16xi32>
    %shift_left3A_347 = arith.shli %shift_right_arithmetic3A_344, %shift_left3A_346 : vector<16xi32>
    %and3A_348 = arith.constant 8191 : i32
    %and3A_349 = vector.broadcast %and3A_348 : i32 to vector<16xi32>
    %and3A_350 = arith.andi %get3A_341, %and3A_349 : vector<16xi32>
    %or3A_351 = arith.ori %shift_left3A_347, %and3A_350 : vector<16xi32>
    %swap3A_352 = arith.constant 2 : i32
    %swap3A_353 = arith.index_cast %swap3A_352 : i32 to index
    %swap3A_354 = arith.constant 32 : index
    %swap3A_355 = tpu.vector_load %arg6[%swap3A_353, %swap3A_354] {strides = array<i32>} : memref<4x128xi32, #tpu.memory_space<vmem>>, vector<1x16xi32>,
    %swap3A_356 = vector.shape_cast %swap3A_355 : vector<1x16xi32> to vector<16xi32>
    %swap3A_357 = vector.shape_cast %or3A_351 : vector<16xi32> to vector<1x16xi32>
    tpu.vector_store %arg6[%swap3A_353, %swap3A_354], %swap3A_357 {strides = array<i32>} : memref<4x128xi32, #tpu.memory_space<vmem>>, vector<1x16xi32>,
    %get3A_358 = arith.constant 304 : index
    %get3A_359 = tpu.vector_load %arg5[%get3A_358] {strides = array<i32>} : memref<512xi32, #tpu.memory_space<vmem>>, vector<16xi32>,
    %get3A_360 = vector.shape_cast %get3A_359 : vector<16xi32> to vector<16xi32>
    %shift_right_arithmetic3A_361 = arith.constant 15 : i32
    %shift_right_arithmetic3A_362 = vector.broadcast %shift_right_arithmetic3A_361 : i32 to vector<16xi32>
    %shift_right_arithmetic3A_363 = arith.shrsi %get3A_360, %shift_right_arithmetic3A_362 : vector<16xi32>
    %shift_left3A_364 = arith.constant 13 : i32
    %shift_left3A_365 = vector.broadcast %shift_left3A_364 : i32 to vector<16xi32>
    %shift_left3A_366 = arith.shli %shift_right_arithmetic3A_363, %shift_left3A_365 : vector<16xi32>
    %and3A_367 = arith.constant 8191 : i32
    %and3A_368 = vector.broadcast %and3A_367 : i32 to vector<16xi32>
    %and3A_369 = arith.andi %get3A_360, %and3A_368 : vector<16xi32>
    %or3A_370 = arith.ori %shift_left3A_366, %and3A_369 : vector<16xi32>
    %swap3A_371 = arith.constant 2 : i32
    %swap3A_372 = arith.index_cast %swap3A_371 : i32 to index
    %swap3A_373 = arith.constant 48 : index
    %swap3A_374 = tpu.vector_load %arg6[%swap3A_372, %swap3A_373] {strides = array<i32>} : memref<4x128xi32, #tpu.memory_space<vmem>>, vector<1x16xi32>,
    %swap3A_375 = vector.shape_cast %swap3A_374 : vector<1x16xi32> to vector<16xi32>
    %swap3A_376 = vector.shape_cast %or3A_370 : vector<16xi32> to vector<1x16xi32>
    tpu.vector_store %arg6[%swap3A_372, %swap3A_373], %swap3A_376 {strides = array<i32>} : memref<4x128xi32, #tpu.memory_space<vmem>>, vector<1x16xi32>,
    %get3A_377 = arith.constant 320 : index
    %get3A_378 = tpu.vector_load %arg5[%get3A_377] {strides = array<i32>} : memref<512xi32, #tpu.memory_space<vmem>>, vector<16xi32>,
    %get3A_379 = vector.shape_cast %get3A_378 : vector<16xi32> to vector<16xi32>
    %shift_right_arithmetic3A_380 = arith.constant 15 : i32
    %shift_right_arithmetic3A_381 = vector.broadcast %shift_right_arithmetic3A_380 : i32 to vector<16xi32>
    %shift_right_arithmetic3A_382 = arith.shrsi %get3A_379, %shift_right_arithmetic3A_381 : vector<16xi32>
    %shift_left3A_383 = arith.constant 13 : i32
    %shift_left3A_384 = vector.broadcast %shift_left3A_383 : i32 to vector<16xi32>
    %shift_left3A_385 = arith.shli %shift_right_arithmetic3A_382, %shift_left3A_384 : vector<16xi32>
    %and3A_386 = arith.constant 8191 : i32
    %and3A_387 = vector.broadcast %and3A_386 : i32 to vector<16xi32>
    %and3A_388 = arith.andi %get3A_379, %and3A_387 : vector<16xi32>
    %or3A_389 = arith.ori %shift_left3A_385, %and3A_388 : vector<16xi32>
    %swap3A_390 = arith.constant 2 : i32
    %swap3A_391 = arith.index_cast %swap3A_390 : i32 to index
    %swap3A_392 = arith.constant 64 : index
    %swap3A_393 = tpu.vector_load %arg6[%swap3A_391, %swap3A_392] {strides = array<i32>} : memref<4x128xi32, #tpu.memory_space<vmem>>, vector<1x16xi32>,
    %swap3A_394 = vector.shape_cast %swap3A_393 : vector<1x16xi32> to vector<16xi32>
    %swap3A_395 = vector.shape_cast %or3A_389 : vector<16xi32> to vector<1x16xi32>
    tpu.vector_store %arg6[%swap3A_391, %swap3A_392], %swap3A_395 {strides = array<i32>} : memref<4x128xi32, #tpu.memory_space<vmem>>, vector<1x16xi32>,
    %get3A_396 = arith.constant 336 : index
    %get3A_397 = tpu.vector_load %arg5[%get3A_396] {strides = array<i32>} : memref<512xi32, #tpu.memory_space<vmem>>, vector<16xi32>,
    %get3A_398 = vector.shape_cast %get3A_397 : vector<16xi32> to vector<16xi32>
    %shift_right_arithmetic3A_399 = arith.constant 15 : i32
    %shift_right_arithmetic3A_400 = vector.broadcast %shift_right_arithmetic3A_399 : i32 to vector<16xi32>
    %shift_right_arithmetic3A_401 = arith.shrsi %get3A_398, %shift_right_arithmetic3A_400 : vector<16xi32>
    %shift_left3A_402 = arith.constant 13 : i32
    %shift_left3A_403 = vector.broadcast %shift_left3A_402 : i32 to vector<16xi32>
    %shift_left3A_404 = arith.shli %shift_right_arithmetic3A_401, %shift_left3A_403 : vector<16xi32>
    %and3A_405 = arith.constant 8191 : i32
    %and3A_406 = vector.broadcast %and3A_405 : i32 to vector<16xi32>
    %and3A_407 = arith.andi %get3A_398, %and3A_406 : vector<16xi32>
    %or3A_408 = arith.ori %shift_left3A_404, %and3A_407 : vector<16xi32>
    %swap3A_409 = arith.constant 2 : i32
    %swap3A_410 = arith.index_cast %swap3A_409 : i32 to index
    %swap3A_411 = arith.constant 80 : index
    %swap3A_412 = tpu.vector_load %arg6[%swap3A_410, %swap3A_411] {strides = array<i32>} : memref<4x128xi32, #tpu.memory_space<vmem>>, vector<1x16xi32>,
    %swap3A_413 = vector.shape_cast %swap3A_412 : vector<1x16xi32> to vector<16xi32>
    %swap3A_414 = vector.shape_cast %or3A_408 : vector<16xi32> to vector<1x16xi32>
    tpu.vector_store %arg6[%swap3A_410, %swap3A_411], %swap3A_414 {strides = array<i32>} : memref<4x128xi32, #tpu.memory_space<vmem>>, vector<1x16xi32>,
    %get3A_415 = arith.constant 352 : index
    %get3A_416 = tpu.vector_load %arg5[%get3A_415] {strides = array<i32>} : memref<512xi32, #tpu.memory_space<vmem>>, vector<16xi32>,
    %get3A_417 = vector.shape_cast %get3A_416 : vector<16xi32> to vector<16xi32>
    %shift_right_arithmetic3A_418 = arith.constant 15 : i32
    %shift_right_arithmetic3A_419 = vector.broadcast %shift_right_arithmetic3A_418 : i32 to vector<16xi32>
    %shift_right_arithmetic3A_420 = arith.shrsi %get3A_417, %shift_right_arithmetic3A_419 : vector<16xi32>
    %shift_left3A_421 = arith.constant 13 : i32
    %shift_left3A_422 = vector.broadcast %shift_left3A_421 : i32 to vector<16xi32>
    %shift_left3A_423 = arith.shli %shift_right_arithmetic3A_420, %shift_left3A_422 : vector<16xi32>
    %and3A_424 = arith.constant 8191 : i32
    %and3A_425 = vector.broadcast %and3A_424 : i32 to vector<16xi32>
    %and3A_426 = arith.andi %get3A_417, %and3A_425 : vector<16xi32>
    %or3A_427 = arith.ori %shift_left3A_423, %and3A_426 : vector<16xi32>
    %swap3A_428 = arith.constant 2 : i32
    %swap3A_429 = arith.index_cast %swap3A_428 : i32 to index
    %swap3A_430 = arith.constant 96 : index
    %swap3A_431 = tpu.vector_load %arg6[%swap3A_429, %swap3A_430] {strides = array<i32>} : memref<4x128xi32, #tpu.memory_space<vmem>>, vector<1x16xi32>,
    %swap3A_432 = vector.shape_cast %swap3A_431 : vector<1x16xi32> to vector<16xi32>
    %swap3A_433 = vector.shape_cast %or3A_427 : vector<16xi32> to vector<1x16xi32>
    tpu.vector_store %arg6[%swap3A_429, %swap3A_430], %swap3A_433 {strides = array<i32>} : memref<4x128xi32, #tpu.memory_space<vmem>>, vector<1x16xi32>,
    %get3A_434 = arith.constant 368 : index
    %get3A_435 = tpu.vector_load %arg5[%get3A_434] {strides = array<i32>} : memref<512xi32, #tpu.memory_space<vmem>>, vector<16xi32>,
    %get3A_436 = vector.shape_cast %get3A_435 : vector<16xi32> to vector<16xi32>
    %shift_right_arithmetic3A_437 = arith.constant 15 : i32
    %shift_right_arithmetic3A_438 = vector.broadcast %shift_right_arithmetic3A_437 : i32 to vector<16xi32>
    %shift_right_arithmetic3A_439 = arith.shrsi %get3A_436, %shift_right_arithmetic3A_438 : vector<16xi32>
    %shift_left3A_440 = arith.constant 13 : i32
    %shift_left3A_441 = vector.broadcast %shift_left3A_440 : i32 to vector<16xi32>
    %shift_left3A_442 = arith.shli %shift_right_arithmetic3A_439, %shift_left3A_441 : vector<16xi32>
    %and3A_443 = arith.constant 8191 : i32
    %and3A_444 = vector.broadcast %and3A_443 : i32 to vector<16xi32>
    %and3A_445 = arith.andi %get3A_436, %and3A_444 : vector<16xi32>
    %or3A_446 = arith.ori %shift_left3A_442, %and3A_445 : vector<16xi32>
    %swap3A_447 = arith.constant 2 : i32
    %swap3A_448 = arith.index_cast %swap3A_447 : i32 to index
    %swap3A_449 = arith.constant 112 : index
    %swap3A_450 = tpu.vector_load %arg6[%swap3A_448, %swap3A_449] {strides = array<i32>} : memref<4x128xi32, #tpu.memory_space<vmem>>, vector<1x16xi32>,
    %swap3A_451 = vector.shape_cast %swap3A_450 : vector<1x16xi32> to vector<16xi32>
    %swap3A_452 = vector.shape_cast %or3A_446 : vector<16xi32> to vector<1x16xi32>
    tpu.vector_store %arg6[%swap3A_448, %swap3A_449], %swap3A_452 {strides = array<i32>} : memref<4x128xi32, #tpu.memory_space<vmem>>, vector<1x16xi32>,
    %get3A_453 = arith.constant 384 : index
    %get3A_454 = tpu.vector_load %arg5[%get3A_453] {strides = array<i32>} : memref<512xi32, #tpu.memory_space<vmem>>, vector<16xi32>,
    %get3A_455 = vector.shape_cast %get3A_454 : vector<16xi32> to vector<16xi32>
    %shift_right_arithmetic3A_456 = arith.constant 15 : i32
    %shift_right_arithmetic3A_457 = vector.broadcast %shift_right_arithmetic3A_456 : i32 to vector<16xi32>
    %shift_right_arithmetic3A_458 = arith.shrsi %get3A_455, %shift_right_arithmetic3A_457 : vector<16xi32>
    %shift_left3A_459 = arith.constant 13 : i32
    %shift_left3A_460 = vector.broadcast %shift_left3A_459 : i32 to vector<16xi32>
    %shift_left3A_461 = arith.shli %shift_right_arithmetic3A_458, %shift_left3A_460 : vector<16xi32>
    %and3A_462 = arith.constant 8191 : i32
    %and3A_463 = vector.broadcast %and3A_462 : i32 to vector<16xi32>
    %and3A_464 = arith.andi %get3A_455, %and3A_463 : vector<16xi32>
    %or3A_465 = arith.ori %shift_left3A_461, %and3A_464 : vector<16xi32>
    %swap3A_466 = arith.constant 3 : i32
    %swap3A_467 = arith.index_cast %swap3A_466 : i32 to index
    %swap3A_468 = arith.constant 0 : index
    %swap3A_469 = tpu.vector_load %arg6[%swap3A_467, %swap3A_468] {strides = array<i32>} : memref<4x128xi32, #tpu.memory_space<vmem>>, vector<1x16xi32>,
    %swap3A_470 = vector.shape_cast %swap3A_469 : vector<1x16xi32> to vector<16xi32>
    %swap3A_471 = vector.shape_cast %or3A_465 : vector<16xi32> to vector<1x16xi32>
    tpu.vector_store %arg6[%swap3A_467, %swap3A_468], %swap3A_471 {strides = array<i32>} : memref<4x128xi32, #tpu.memory_space<vmem>>, vector<1x16xi32>,
    %get3A_472 = arith.constant 400 : index
    %get3A_473 = tpu.vector_load %arg5[%get3A_472] {strides = array<i32>} : memref<512xi32, #tpu.memory_space<vmem>>, vector<16xi32>,
    %get3A_474 = vector.shape_cast %get3A_473 : vector<16xi32> to vector<16xi32>
    %shift_right_arithmetic3A_475 = arith.constant 15 : i32
    %shift_right_arithmetic3A_476 = vector.broadcast %shift_right_arithmetic3A_475 : i32 to vector<16xi32>
    %shift_right_arithmetic3A_477 = arith.shrsi %get3A_474, %shift_right_arithmetic3A_476 : vector<16xi32>
    %shift_left3A_478 = arith.constant 13 : i32
    %shift_left3A_479 = vector.broadcast %shift_left3A_478 : i32 to vector<16xi32>
    %shift_left3A_480 = arith.shli %shift_right_arithmetic3A_477, %shift_left3A_479 : vector<16xi32>
    %and3A_481 = arith.constant 8191 : i32
    %and3A_482 = vector.broadcast %and3A_481 : i32 to vector<16xi32>
    %and3A_483 = arith.andi %get3A_474, %and3A_482 : vector<16xi32>
    %or3A_484 = arith.ori %shift_left3A_480, %and3A_483 : vector<16xi32>
    %swap3A_485 = arith.constant 3 : i32
    %swap3A_486 = arith.index_cast %swap3A_485 : i32 to index
    %swap3A_487 = arith.constant 16 : index
    %swap3A_488 = tpu.vector_load %arg6[%swap3A_486, %swap3A_487] {strides = array<i32>} : memref<4x128xi32, #tpu.memory_space<vmem>>, vector<1x16xi32>,
    %swap3A_489 = vector.shape_cast %swap3A_488 : vector<1x16xi32> to vector<16xi32>
    %swap3A_490 = vector.shape_cast %or3A_484 : vector<16xi32> to vector<1x16xi32>
    tpu.vector_store %arg6[%swap3A_486, %swap3A_487], %swap3A_490 {strides = array<i32>} : memref<4x128xi32, #tpu.memory_space<vmem>>, vector<1x16xi32>,
    %get3A_491 = arith.constant 416 : index
    %get3A_492 = tpu.vector_load %arg5[%get3A_491] {strides = array<i32>} : memref<512xi32, #tpu.memory_space<vmem>>, vector<16xi32>,
    %get3A_493 = vector.shape_cast %get3A_492 : vector<16xi32> to vector<16xi32>
    %shift_right_arithmetic3A_494 = arith.constant 15 : i32
    %shift_right_arithmetic3A_495 = vector.broadcast %shift_right_arithmetic3A_494 : i32 to vector<16xi32>
    %shift_right_arithmetic3A_496 = arith.shrsi %get3A_493, %shift_right_arithmetic3A_495 : vector<16xi32>
    %shift_left3A_497 = arith.constant 13 : i32
    %shift_left3A_498 = vector.broadcast %shift_left3A_497 : i32 to vector<16xi32>
    %shift_left3A_499 = arith.shli %shift_right_arithmetic3A_496, %shift_left3A_498 : vector<16xi32>
    %and3A_500 = arith.constant 8191 : i32
    %and3A_501 = vector.broadcast %and3A_500 : i32 to vector<16xi32>
    %and3A_502 = arith.andi %get3A_493, %and3A_501 : vector<16xi32>
    %or3A_503 = arith.ori %shift_left3A_499, %and3A_502 : vector<16xi32>
    %swap3A_504 = arith.constant 3 : i32
    %swap3A_505 = arith.index_cast %swap3A_504 : i32 to index
    %swap3A_506 = arith.constant 32 : index
    %swap3A_507 = tpu.vector_load %arg6[%swap3A_505, %swap3A_506] {strides = array<i32>} : memref<4x128xi32, #tpu.memory_space<vmem>>, vector<1x16xi32>,
    %swap3A_508 = vector.shape_cast %swap3A_507 : vector<1x16xi32> to vector<16xi32>
    %swap3A_509 = vector.shape_cast %or3A_503 : vector<16xi32> to vector<1x16xi32>
    tpu.vector_store %arg6[%swap3A_505, %swap3A_506], %swap3A_509 {strides = array<i32>} : memref<4x128xi32, #tpu.memory_space<vmem>>, vector<1x16xi32>,
    %get3A_510 = arith.constant 432 : index
    %get3A_511 = tpu.vector_load %arg5[%get3A_510] {strides = array<i32>} : memref<512xi32, #tpu.memory_space<vmem>>, vector<16xi32>,
    %get3A_512 = vector.shape_cast %get3A_511 : vector<16xi32> to vector<16xi32>
    %shift_right_arithmetic3A_513 = arith.constant 15 : i32
    %shift_right_arithmetic3A_514 = vector.broadcast %shift_right_arithmetic3A_513 : i32 to vector<16xi32>
    %shift_right_arithmetic3A_515 = arith.shrsi %get3A_512, %shift_right_arithmetic3A_514 : vector<16xi32>
    %shift_left3A_516 = arith.constant 13 : i32
    %shift_left3A_517 = vector.broadcast %shift_left3A_516 : i32 to vector<16xi32>
    %shift_left3A_518 = arith.shli %shift_right_arithmetic3A_515, %shift_left3A_517 : vector<16xi32>
    %and3A_519 = arith.constant 8191 : i32
    %and3A_520 = vector.broadcast %and3A_519 : i32 to vector<16xi32>
    %and3A_521 = arith.andi %get3A_512, %and3A_520 : vector<16xi32>
    %or3A_522 = arith.ori %shift_left3A_518, %and3A_521 : vector<16xi32>
    %swap3A_523 = arith.constant 3 : i32
    %swap3A_524 = arith.index_cast %swap3A_523 : i32 to index
    %swap3A_525 = arith.constant 48 : index
    %swap3A_526 = tpu.vector_load %arg6[%swap3A_524, %swap3A_525] {strides = array<i32>} : memref<4x128xi32, #tpu.memory_space<vmem>>, vector<1x16xi32>,
    %swap3A_527 = vector.shape_cast %swap3A_526 : vector<1x16xi32> to vector<16xi32>
    %swap3A_528 = vector.shape_cast %or3A_522 : vector<16xi32> to vector<1x16xi32>
    tpu.vector_store %arg6[%swap3A_524, %swap3A_525], %swap3A_528 {strides = array<i32>} : memref<4x128xi32, #tpu.memory_space<vmem>>, vector<1x16xi32>,
    %get3A_529 = arith.constant 448 : index
    %get3A_530 = tpu.vector_load %arg5[%get3A_529] {strides = array<i32>} : memref<512xi32, #tpu.memory_space<vmem>>, vector<16xi32>,
    %get3A_531 = vector.shape_cast %get3A_530 : vector<16xi32> to vector<16xi32>
    %shift_right_arithmetic3A_532 = arith.constant 15 : i32
    %shift_right_arithmetic3A_533 = vector.broadcast %shift_right_arithmetic3A_532 : i32 to vector<16xi32>
    %shift_right_arithmetic3A_534 = arith.shrsi %get3A_531, %shift_right_arithmetic3A_533 : vector<16xi32>
    %shift_left3A_535 = arith.constant 13 : i32
    %shift_left3A_536 = vector.broadcast %shift_left3A_535 : i32 to vector<16xi32>
    %shift_left3A_537 = arith.shli %shift_right_arithmetic3A_534, %shift_left3A_536 : vector<16xi32>
    %and3A_538 = arith.constant 8191 : i32
    %and3A_539 = vector.broadcast %and3A_538 : i32 to vector<16xi32>
    %and3A_540 = arith.andi %get3A_531, %and3A_539 : vector<16xi32>
    %or3A_541 = arith.ori %shift_left3A_537, %and3A_540 : vector<16xi32>
    %swap3A_542 = arith.constant 3 : i32
    %swap3A_543 = arith.index_cast %swap3A_542 : i32 to index
    %swap3A_544 = arith.constant 64 : index
    %swap3A_545 = tpu.vector_load %arg6[%swap3A_543, %swap3A_544] {strides = array<i32>} : memref<4x128xi32, #tpu.memory_space<vmem>>, vector<1x16xi32>,
    %swap3A_546 = vector.shape_cast %swap3A_545 : vector<1x16xi32> to vector<16xi32>
    %swap3A_547 = vector.shape_cast %or3A_541 : vector<16xi32> to vector<1x16xi32>
    tpu.vector_store %arg6[%swap3A_543, %swap3A_544], %swap3A_547 {strides = array<i32>} : memref<4x128xi32, #tpu.memory_space<vmem>>, vector<1x16xi32>,
    %get3A_548 = arith.constant 464 : index
    %get3A_549 = tpu.vector_load %arg5[%get3A_548] {strides = array<i32>} : memref<512xi32, #tpu.memory_space<vmem>>, vector<16xi32>,
    %get3A_550 = vector.shape_cast %get3A_549 : vector<16xi32> to vector<16xi32>
    %shift_right_arithmetic3A_551 = arith.constant 15 : i32
    %shift_right_arithmetic3A_552 = vector.broadcast %shift_right_arithmetic3A_551 : i32 to vector<16xi32>
    %shift_right_arithmetic3A_553 = arith.shrsi %get3A_550, %shift_right_arithmetic3A_552 : vector<16xi32>
    %shift_left3A_554 = arith.constant 13 : i32
    %shift_left3A_555 = vector.broadcast %shift_left3A_554 : i32 to vector<16xi32>
    %shift_left3A_556 = arith.shli %shift_right_arithmetic3A_553, %shift_left3A_555 : vector<16xi32>
    %and3A_557 = arith.constant 8191 : i32
    %and3A_558 = vector.broadcast %and3A_557 : i32 to vector<16xi32>
    %and3A_559 = arith.andi %get3A_550, %and3A_558 : vector<16xi32>
    %or3A_560 = arith.ori %shift_left3A_556, %and3A_559 : vector<16xi32>
    %swap3A_561 = arith.constant 3 : i32
    %swap3A_562 = arith.index_cast %swap3A_561 : i32 to index
    %swap3A_563 = arith.constant 80 : index
    %swap3A_564 = tpu.vector_load %arg6[%swap3A_562, %swap3A_563] {strides = array<i32>} : memref<4x128xi32, #tpu.memory_space<vmem>>, vector<1x16xi32>,
    %swap3A_565 = vector.shape_cast %swap3A_564 : vector<1x16xi32> to vector<16xi32>
    %swap3A_566 = vector.shape_cast %or3A_560 : vector<16xi32> to vector<1x16xi32>
    tpu.vector_store %arg6[%swap3A_562, %swap3A_563], %swap3A_566 {strides = array<i32>} : memref<4x128xi32, #tpu.memory_space<vmem>>, vector<1x16xi32>,
    %get3A_567 = arith.constant 480 : index
    %get3A_568 = tpu.vector_load %arg5[%get3A_567] {strides = array<i32>} : memref<512xi32, #tpu.memory_space<vmem>>, vector<16xi32>,
    %get3A_569 = vector.shape_cast %get3A_568 : vector<16xi32> to vector<16xi32>
    %shift_right_arithmetic3A_570 = arith.constant 15 : i32
    %shift_right_arithmetic3A_571 = vector.broadcast %shift_right_arithmetic3A_570 : i32 to vector<16xi32>
    %shift_right_arithmetic3A_572 = arith.shrsi %get3A_569, %shift_right_arithmetic3A_571 : vector<16xi32>
    %shift_left3A_573 = arith.constant 13 : i32
    %shift_left3A_574 = vector.broadcast %shift_left3A_573 : i32 to vector<16xi32>
    %shift_left3A_575 = arith.shli %shift_right_arithmetic3A_572, %shift_left3A_574 : vector<16xi32>
    %and3A_576 = arith.constant 8191 : i32
    %and3A_577 = vector.broadcast %and3A_576 : i32 to vector<16xi32>
    %and3A_578 = arith.andi %get3A_569, %and3A_577 : vector<16xi32>
    %or3A_579 = arith.ori %shift_left3A_575, %and3A_578 : vector<16xi32>
    %swap3A_580 = arith.constant 3 : i32
    %swap3A_581 = arith.index_cast %swap3A_580 : i32 to index
    %swap3A_582 = arith.constant 96 : index
    %swap3A_583 = tpu.vector_load %arg6[%swap3A_581, %swap3A_582] {strides = array<i32>} : memref<4x128xi32, #tpu.memory_space<vmem>>, vector<1x16xi32>,
    %swap3A_584 = vector.shape_cast %swap3A_583 : vector<1x16xi32> to vector<16xi32>
    %swap3A_585 = vector.shape_cast %or3A_579 : vector<16xi32> to vector<1x16xi32>
    tpu.vector_store %arg6[%swap3A_581, %swap3A_582], %swap3A_585 {strides = array<i32>} : memref<4x128xi32, #tpu.memory_space<vmem>>, vector<1x16xi32>,
    %get3A_586 = arith.constant 496 : index
    %get3A_587 = tpu.vector_load %arg5[%get3A_586] {strides = array<i32>} : memref<512xi32, #tpu.memory_space<vmem>>, vector<16xi32>,
    %get3A_588 = vector.shape_cast %get3A_587 : vector<16xi32> to vector<16xi32>
    %shift_right_arithmetic3A_589 = arith.constant 15 : i32
    %shift_right_arithmetic3A_590 = vector.broadcast %shift_right_arithmetic3A_589 : i32 to vector<16xi32>
    %shift_right_arithmetic3A_591 = arith.shrsi %get3A_588, %shift_right_arithmetic3A_590 : vector<16xi32>
    %shift_left3A_592 = arith.constant 13 : i32
    %shift_left3A_593 = vector.broadcast %shift_left3A_592 : i32 to vector<16xi32>
    %shift_left3A_594 = arith.shli %shift_right_arithmetic3A_591, %shift_left3A_593 : vector<16xi32>
    %and3A_595 = arith.constant 8191 : i32
    %and3A_596 = vector.broadcast %and3A_595 : i32 to vector<16xi32>
    %and3A_597 = arith.andi %get3A_588, %and3A_596 : vector<16xi32>
    %or3A_598 = arith.ori %shift_left3A_594, %and3A_597 : vector<16xi32>
    %swap3A_599 = arith.constant 3 : i32
    %swap3A_600 = arith.index_cast %swap3A_599 : i32 to index
    %swap3A_601 = arith.constant 112 : index
    %swap3A_602 = tpu.vector_load %arg6[%swap3A_600, %swap3A_601] {strides = array<i32>} : memref<4x128xi32, #tpu.memory_space<vmem>>, vector<1x16xi32>,
    %swap3A_603 = vector.shape_cast %swap3A_602 : vector<1x16xi32> to vector<16xi32>
    %swap3A_604 = vector.shape_cast %or3A_598 : vector<16xi32> to vector<1x16xi32>
    tpu.vector_store %arg6[%swap3A_600, %swap3A_601], %swap3A_604 {strides = array<i32>} : memref<4x128xi32, #tpu.memory_space<vmem>>, vector<1x16xi32>,
    %dma_start3A = arith.constant 0 : i32
    %dma_start3A_605 = arith.constant 0 : i32
    %dma_start3A_606 = arith.constant 0 : i32
    %dma_start3A_607 = tpu.memref_slice %arg7[%dma_start3A_605, %dma_start3A_606] : memref<512x128xf32, #tpu.memory_space<vmem>> -> memref<128x128xf32, #tpu.memory_space<vmem>>
    %dma_start3A_608 = arith.constant 0 : i32
    %dma_start3A_609 = tpu.memref_slice %arg6[%dma_start3A, %dma_start3A_608] : memref<4x128xi32, #tpu.memory_space<vmem>> -> memref<1x128xi32, #tpu.memory_space<vmem>>
    %dma_start3A_610 = tpu.memref_squeeze %dma_start3A_609 : memref<1x128xi32, #tpu.memory_space<vmem>> -> memref<128xi32, #tpu.memory_space<vmem>>
    %dma_start3A_611 = arith.constant 0 : i32
    %dma_start3A_612 = arith.constant 0 : i32
    %dma_start3A_613 = tpu.memref_slice %arg3[%dma_start3A_611, %dma_start3A_612] : memref<253952x128xf32, #tpu.memory_space<hbm>> -> memref<253952x128xf32, #tpu.memory_space<hbm>>
    tpu.enqueue_indirect_dma source(%dma_start3A_613 : memref<253952x128xf32, #tpu.memory_space<hbm>>) target(%dma_start3A_607 : memref<128x128xf32, #tpu.memory_space<vmem>>) offsets(%dma_start3A_610 : memref<128xi32, #tpu.memory_space<vmem>>) semaphore(%arg8 : memref<!tpu.dma_semaphore, #tpu.memory_space<semaphore_mem>>)
    %dma_start3A_614 = arith.constant 1 : i32
    %dma_start3A_615 = arith.constant 128 : i32
    %dma_start3A_616 = arith.constant 0 : i32
    %dma_start3A_617 = tpu.memref_slice %arg7[%dma_start3A_615, %dma_start3A_616] : memref<512x128xf32, #tpu.memory_space<vmem>> -> memref<128x128xf32, #tpu.memory_space<vmem>>
    %dma_start3A_618 = arith.constant 0 : i32
    %dma_start3A_619 = tpu.memref_slice %arg6[%dma_start3A_614, %dma_start3A_618] : memref<4x128xi32, #tpu.memory_space<vmem>> -> memref<1x128xi32, #tpu.memory_space<vmem>>
    %dma_start3A_620 = tpu.memref_squeeze %dma_start3A_619 : memref<1x128xi32, #tpu.memory_space<vmem>> -> memref<128xi32, #tpu.memory_space<vmem>>
    %dma_start3A_621 = arith.constant 0 : i32
    %dma_start3A_622 = arith.constant 0 : i32
    %dma_start3A_623 = tpu.memref_slice %arg3[%dma_start3A_621, %dma_start3A_622] : memref<253952x128xf32, #tpu.memory_space<hbm>> -> memref<253952x128xf32, #tpu.memory_space<hbm>>
    tpu.enqueue_indirect_dma source(%dma_start3A_623 : memref<253952x128xf32, #tpu.memory_space<hbm>>) target(%dma_start3A_617 : memref<128x128xf32, #tpu.memory_space<vmem>>) offsets(%dma_start3A_620 : memref<128xi32, #tpu.memory_space<vmem>>) semaphore(%arg8 : memref<!tpu.dma_semaphore, #tpu.memory_space<semaphore_mem>>)
    %dma_start3A_624 = arith.constant 2 : i32
    %dma_start3A_625 = arith.constant 256 : i32
    %dma_start3A_626 = arith.constant 0 : i32
    %dma_start3A_627 = tpu.memref_slice %arg7[%dma_start3A_625, %dma_start3A_626] : memref<512x128xf32, #tpu.memory_space<vmem>> -> memref<128x128xf32, #tpu.memory_space<vmem>>
    %dma_start3A_628 = arith.constant 0 : i32
    %dma_start3A_629 = tpu.memref_slice %arg6[%dma_start3A_624, %dma_start3A_628] : memref<4x128xi32, #tpu.memory_space<vmem>> -> memref<1x128xi32, #tpu.memory_space<vmem>>
    %dma_start3A_630 = tpu.memref_squeeze %dma_start3A_629 : memref<1x128xi32, #tpu.memory_space<vmem>> -> memref<128xi32, #tpu.memory_space<vmem>>
    %dma_start3A_631 = arith.constant 0 : i32
    %dma_start3A_632 = arith.constant 0 : i32
    %dma_start3A_633 = tpu.memref_slice %arg3[%dma_start3A_631, %dma_start3A_632] : memref<253952x128xf32, #tpu.memory_space<hbm>> -> memref<253952x128xf32, #tpu.memory_space<hbm>>
    tpu.enqueue_indirect_dma source(%dma_start3A_633 : memref<253952x128xf32, #tpu.memory_space<hbm>>) target(%dma_start3A_627 : memref<128x128xf32, #tpu.memory_space<vmem>>) offsets(%dma_start3A_630 : memref<128xi32, #tpu.memory_space<vmem>>) semaphore(%arg8 : memref<!tpu.dma_semaphore, #tpu.memory_space<semaphore_mem>>)
    %dma_start3A_634 = arith.constant 3 : i32
    %dma_start3A_635 = arith.constant 384 : i32
    %dma_start3A_636 = arith.constant 0 : i32
    %dma_start3A_637 = tpu.memref_slice %arg7[%dma_start3A_635, %dma_start3A_636] : memref<512x128xf32, #tpu.memory_space<vmem>> -> memref<128x128xf32, #tpu.memory_space<vmem>>
    %dma_start3A_638 = arith.constant 0 : i32
    %dma_start3A_639 = tpu.memref_slice %arg6[%dma_start3A_634, %dma_start3A_638] : memref<4x128xi32, #tpu.memory_space<vmem>> -> memref<1x128xi32, #tpu.memory_space<vmem>>
    %dma_start3A_640 = tpu.memref_squeeze %dma_start3A_639 : memref<1x128xi32, #tpu.memory_space<vmem>> -> memref<128xi32, #tpu.memory_space<vmem>>
    %dma_start3A_641 = arith.constant 0 : i32
    %dma_start3A_642 = arith.constant 0 : i32
    %dma_start3A_643 = tpu.memref_slice %arg3[%dma_start3A_641, %dma_start3A_642] : memref<253952x128xf32, #tpu.memory_space<hbm>> -> memref<253952x128xf32, #tpu.memory_space<hbm>>
    tpu.enqueue_indirect_dma source(%dma_start3A_643 : memref<253952x128xf32, #tpu.memory_space<hbm>>) target(%dma_start3A_637 : memref<128x128xf32, #tpu.memory_space<vmem>>) offsets(%dma_start3A_640 : memref<128xi32, #tpu.memory_space<vmem>>) semaphore(%arg8 : memref<!tpu.dma_semaphore, #tpu.memory_space<semaphore_mem>>)
    %dma_wait3A = arith.constant 0 : i32
    %dma_wait3A_644 = arith.constant 0 : i32
    %dma_wait3A_645 = arith.constant 0 : i32
    %dma_wait3A_646 = tpu.memref_slice %arg7[%dma_wait3A_644, %dma_wait3A_645] : memref<512x128xf32, #tpu.memory_space<vmem>> -> memref<128x128xf32, #tpu.memory_space<vmem>>
    %dma_wait3A_647 = arith.constant 0 : i32
    %dma_wait3A_648 = tpu.memref_slice %arg6[%dma_wait3A, %dma_wait3A_647] : memref<4x128xi32, #tpu.memory_space<vmem>> -> memref<1x128xi32, #tpu.memory_space<vmem>>
    %dma_wait3A_649 = tpu.memref_squeeze %dma_wait3A_648 : memref<1x128xi32, #tpu.memory_space<vmem>> -> memref<128xi32, #tpu.memory_space<vmem>>
    %dma_wait3A_650 = arith.constant 0 : i32
    %dma_wait3A_651 = arith.constant 0 : i32
    %dma_wait3A_652 = tpu.memref_slice %arg3[%dma_wait3A_650, %dma_wait3A_651] : memref<253952x128xf32, #tpu.memory_space<hbm>> -> memref<253952x128xf32, #tpu.memory_space<hbm>>
    tpu.wait_indirect_dma semaphore(%arg8 : memref<!tpu.dma_semaphore, #tpu.memory_space<semaphore_mem>>) src(%dma_wait3A_652 : memref<253952x128xf32, #tpu.memory_space<hbm>>) dst(%dma_wait3A_646 : memref<128x128xf32, #tpu.memory_space<vmem>>)
    %dma_wait3A_653 = arith.constant 1 : i32
    %dma_wait3A_654 = arith.constant 128 : i32
    %dma_wait3A_655 = arith.constant 0 : i32
    %dma_wait3A_656 = tpu.memref_slice %arg7[%dma_wait3A_654, %dma_wait3A_655] : memref<512x128xf32, #tpu.memory_space<vmem>> -> memref<128x128xf32, #tpu.memory_space<vmem>>
    %dma_wait3A_657 = arith.constant 0 : i32
    %dma_wait3A_658 = tpu.memref_slice %arg6[%dma_wait3A_653, %dma_wait3A_657] : memref<4x128xi32, #tpu.memory_space<vmem>> -> memref<1x128xi32, #tpu.memory_space<vmem>>
    %dma_wait3A_659 = tpu.memref_squeeze %dma_wait3A_658 : memref<1x128xi32, #tpu.memory_space<vmem>> -> memref<128xi32, #tpu.memory_space<vmem>>
    %dma_wait3A_660 = arith.constant 0 : i32
    %dma_wait3A_661 = arith.constant 0 : i32
    %dma_wait3A_662 = tpu.memref_slice %arg3[%dma_wait3A_660, %dma_wait3A_661] : memref<253952x128xf32, #tpu.memory_space<hbm>> -> memref<253952x128xf32, #tpu.memory_space<hbm>>
    tpu.wait_indirect_dma semaphore(%arg8 : memref<!tpu.dma_semaphore, #tpu.memory_space<semaphore_mem>>) src(%dma_wait3A_662 : memref<253952x128xf32, #tpu.memory_space<hbm>>) dst(%dma_wait3A_656 : memref<128x128xf32, #tpu.memory_space<vmem>>)
    %dma_wait3A_663 = arith.constant 2 : i32
    %dma_wait3A_664 = arith.constant 256 : i32
    %dma_wait3A_665 = arith.constant 0 : i32
    %dma_wait3A_666 = tpu.memref_slice %arg7[%dma_wait3A_664, %dma_wait3A_665] : memref<512x128xf32, #tpu.memory_space<vmem>> -> memref<128x128xf32, #tpu.memory_space<vmem>>
    %dma_wait3A_667 = arith.constant 0 : i32
    %dma_wait3A_668 = tpu.memref_slice %arg6[%dma_wait3A_663, %dma_wait3A_667] : memref<4x128xi32, #tpu.memory_space<vmem>> -> memref<1x128xi32, #tpu.memory_space<vmem>>
    %dma_wait3A_669 = tpu.memref_squeeze %dma_wait3A_668 : memref<1x128xi32, #tpu.memory_space<vmem>> -> memref<128xi32, #tpu.memory_space<vmem>>
    %dma_wait3A_670 = arith.constant 0 : i32
    %dma_wait3A_671 = arith.constant 0 : i32
    %dma_wait3A_672 = tpu.memref_slice %arg3[%dma_wait3A_670, %dma_wait3A_671] : memref<253952x128xf32, #tpu.memory_space<hbm>> -> memref<253952x128xf32, #tpu.memory_space<hbm>>
    tpu.wait_indirect_dma semaphore(%arg8 : memref<!tpu.dma_semaphore, #tpu.memory_space<semaphore_mem>>) src(%dma_wait3A_672 : memref<253952x128xf32, #tpu.memory_space<hbm>>) dst(%dma_wait3A_666 : memref<128x128xf32, #tpu.memory_space<vmem>>)
    %dma_wait3A_673 = arith.constant 3 : i32
    %dma_wait3A_674 = arith.constant 384 : i32
    %dma_wait3A_675 = arith.constant 0 : i32
    %dma_wait3A_676 = tpu.memref_slice %arg7[%dma_wait3A_674, %dma_wait3A_675] : memref<512x128xf32, #tpu.memory_space<vmem>> -> memref<128x128xf32, #tpu.memory_space<vmem>>
    %dma_wait3A_677 = arith.constant 0 : i32
    %dma_wait3A_678 = tpu.memref_slice %arg6[%dma_wait3A_673, %dma_wait3A_677] : memref<4x128xi32, #tpu.memory_space<vmem>> -> memref<1x128xi32, #tpu.memory_space<vmem>>
    %dma_wait3A_679 = tpu.memref_squeeze %dma_wait3A_678 : memref<1x128xi32, #tpu.memory_space<vmem>> -> memref<128xi32, #tpu.memory_space<vmem>>
    %dma_wait3A_680 = arith.constant 0 : i32
    %dma_wait3A_681 = arith.constant 0 : i32
    %dma_wait3A_682 = tpu.memref_slice %arg3[%dma_wait3A_680, %dma_wait3A_681] : memref<253952x128xf32, #tpu.memory_space<hbm>> -> memref<253952x128xf32, #tpu.memory_space<hbm>>
    tpu.wait_indirect_dma semaphore(%arg8 : memref<!tpu.dma_semaphore, #tpu.memory_space<semaphore_mem>>) src(%dma_wait3A_682 : memref<253952x128xf32, #tpu.memory_space<hbm>>) dst(%dma_wait3A_676 : memref<128x128xf32, #tpu.memory_space<vmem>>)
    "tpu.region"() ({
      %run_scoped3A = tpu.sem_alloc : memref<!tpu.dma_semaphore, #tpu.memory_space<semaphore_mem>>
      %dma_start3A_683 = arith.constant 0 : i32
      %dma_start3A_684 = tpu.memref_slice %arg4[%mul3A_2, %dma_start3A_683] : memref<16384x128xf32, #tpu.memory_space<hbm>> -> memref<512x128xf32, #tpu.memory_space<hbm>>
      %dma_start3A_685 = arith.constant 0 : i32
      %dma_start3A_686 = tpu.memref_slice %arg4[%mul3A_2, %dma_start3A_685] : memref<16384x128xf32, #tpu.memory_space<hbm>> -> memref<512x128xf32, #tpu.memory_space<hbm>>
      tpu.enqueue_dma source(%arg7 : memref<512x128xf32, #tpu.memory_space<vmem>>) target(%dma_start3A_686 : memref<512x128xf32, #tpu.memory_space<hbm>>) target_semaphore(%run_scoped3A : memref<!tpu.dma_semaphore, #tpu.memory_space<semaphore_mem>>)
      %dma_wait3A_687 = arith.constant 0 : i32
      %dma_wait3A_688 = tpu.memref_slice %arg4[%mul3A_2, %dma_wait3A_687] : memref<16384x128xf32, #tpu.memory_space<hbm>> -> memref<512x128xf32, #tpu.memory_space<hbm>>
      %dma_wait3A_689 = arith.constant 0 : i32
      %dma_wait3A_690 = tpu.memref_slice %arg4[%mul3A_2, %dma_wait3A_689] : memref<16384x128xf32, #tpu.memory_space<hbm>> -> memref<512x128xf32, #tpu.memory_space<hbm>>
      tpu.wait_dma2 semaphore(%run_scoped3A : memref<!tpu.dma_semaphore, #tpu.memory_space<semaphore_mem>>) src(%arg7 : memref<512x128xf32, #tpu.memory_space<vmem>>) dst(%dma_wait3A_690 : memref<512x128xf32, #tpu.memory_space<hbm>>)
      tpu.yield
    }) : () -> ()
    return
  }
}

module attributes {stable_mosaic.version = 14 : i64} {
  func.func @_repack_body(%arg0: i32, %arg1: memref<64x32768xf32, #tpu.memory_space<vmem>>, %arg2: memref<8192x128xf32, #tpu.memory_space<vmem>>) attributes {dimension_semantics = [#tpu.dimension_semantics<arbitrary>], iteration_bounds = array<i64: 31>, scalar_prefetch = 0 : i64, scratch_operands = 0 : i64, tpu.core_type = #tpu.core_type<tc>, window_params = [{transform_indices = @transform_0, window_bounds = array<i64: 64, 32768>}, {transform_indices = @transform_1, window_bounds = array<i64: 8192, 128>}]} {
    %iota3A = tpu.iota {dimensions = array<i32: 0>} : vector<64x64xi32>
    %iota3A_0 = tpu.iota {dimensions = array<i32: 1>} : vector<64x64xi32>
    %add3A = arith.constant 0 : i32
    %add3A_1 = vector.broadcast %add3A : i32 to vector<64x64xi32>
    %add3A_2 = arith.addi %iota3A, %add3A_1 : vector<64x64xi32>
    %eq3A = arith.cmpi eq, %add3A_2, %iota3A_0 : vector<64x64xi32>
    %convert_element_type3A = arith.extui %eq3A : vector<64x64xi1> to vector<64x64xi32>
    %convert_element_type3A_3 = arith.sitofp %convert_element_type3A : vector<64x64xi32> to vector<64x64xf32>
    %get3A = arith.constant 0 : index
    %get3A_4 = arith.constant 0 : index
    %get3A_5 = vector.load %arg1[%get3A, %get3A_4] : memref<64x32768xf32, #tpu.memory_space<vmem>>, vector<64x32768xf32>
    %slice3A = vector.extract_strided_slice %get3A_5 {offsets = [0, 0], sizes = [64, 8192], strides = [1, 1]} : vector<64x32768xf32> to vector<64x8192xf32>
    %dot_general3A = arith.constant dense<0.000000e+00> : vector<8192x64xf32>
    %dot_general3A_6 = tpu.matmul %slice3A, %convert_element_type3A_3, %dot_general3A {dimension_numbers = #tpu.dot_dimension_numbers<[0], [0], [1], [1], [0, 1, 1, 1], [], []>, transpose_lhs_hint = false} : vector<64x8192xf32>, vector<64x64xf32>, vector<8192x64xf32> -> vector<8192x64xf32>
    %bitcast_convert_type3A = tpu.bitcast %dot_general3A_6 : vector<8192x64xf32> -> vector<8192x64xi32>
    %add3A_7 = arith.constant 32768 : i32
    %add3A_8 = vector.broadcast %add3A_7 : i32 to vector<8192x64xi32>
    %add3A_9 = arith.addi %bitcast_convert_type3A, %add3A_8 : vector<8192x64xi32>
    %shift_right_logical3A = arith.constant 16 : i32
    %shift_right_logical3A_10 = vector.broadcast %shift_right_logical3A : i32 to vector<8192x64xi32>
    %shift_right_logical3A_11 = arith.shrui %add3A_9, %shift_right_logical3A_10 : vector<8192x64xi32>
    %slice3A_12 = vector.extract_strided_slice %get3A_5 {offsets = [0, 8192], sizes = [64, 8192], strides = [1, 1]} : vector<64x32768xf32> to vector<64x8192xf32>
    %dot_general3A_13 = arith.constant dense<0.000000e+00> : vector<8192x64xf32>
    %dot_general3A_14 = tpu.matmul %slice3A_12, %convert_element_type3A_3, %dot_general3A_13 {dimension_numbers = #tpu.dot_dimension_numbers<[0], [0], [1], [1], [0, 1, 1, 1], [], []>, transpose_lhs_hint = false} : vector<64x8192xf32>, vector<64x64xf32>, vector<8192x64xf32> -> vector<8192x64xf32>
    %bitcast_convert_type3A_15 = tpu.bitcast %dot_general3A_14 : vector<8192x64xf32> -> vector<8192x64xi32>
    %add3A_16 = arith.constant 32768 : i32
    %add3A_17 = vector.broadcast %add3A_16 : i32 to vector<8192x64xi32>
    %add3A_18 = arith.addi %bitcast_convert_type3A_15, %add3A_17 : vector<8192x64xi32>
    %shift_right_logical3A_19 = arith.constant 16 : i32
    %shift_right_logical3A_20 = vector.broadcast %shift_right_logical3A_19 : i32 to vector<8192x64xi32>
    %shift_right_logical3A_21 = arith.shrui %add3A_18, %shift_right_logical3A_20 : vector<8192x64xi32>
    %slice3A_22 = vector.extract_strided_slice %get3A_5 {offsets = [0, 16384], sizes = [64, 8192], strides = [1, 1]} : vector<64x32768xf32> to vector<64x8192xf32>
    %dot_general3A_23 = arith.constant dense<0.000000e+00> : vector<8192x64xf32>
    %dot_general3A_24 = tpu.matmul %slice3A_22, %convert_element_type3A_3, %dot_general3A_23 {dimension_numbers = #tpu.dot_dimension_numbers<[0], [0], [1], [1], [0, 1, 1, 1], [], []>, transpose_lhs_hint = false} : vector<64x8192xf32>, vector<64x64xf32>, vector<8192x64xf32> -> vector<8192x64xf32>
    %bitcast_convert_type3A_25 = tpu.bitcast %dot_general3A_24 : vector<8192x64xf32> -> vector<8192x64xi32>
    %add3A_26 = arith.constant 32768 : i32
    %add3A_27 = vector.broadcast %add3A_26 : i32 to vector<8192x64xi32>
    %add3A_28 = arith.addi %bitcast_convert_type3A_25, %add3A_27 : vector<8192x64xi32>
    %shift_right_logical3A_29 = arith.constant 16 : i32
    %shift_right_logical3A_30 = vector.broadcast %shift_right_logical3A_29 : i32 to vector<8192x64xi32>
    %shift_right_logical3A_31 = arith.shrui %add3A_28, %shift_right_logical3A_30 : vector<8192x64xi32>
    %slice3A_32 = vector.extract_strided_slice %get3A_5 {offsets = [0, 24576], sizes = [64, 8192], strides = [1, 1]} : vector<64x32768xf32> to vector<64x8192xf32>
    %dot_general3A_33 = arith.constant dense<0.000000e+00> : vector<8192x64xf32>
    %dot_general3A_34 = tpu.matmul %slice3A_32, %convert_element_type3A_3, %dot_general3A_33 {dimension_numbers = #tpu.dot_dimension_numbers<[0], [0], [1], [1], [0, 1, 1, 1], [], []>, transpose_lhs_hint = false} : vector<64x8192xf32>, vector<64x64xf32>, vector<8192x64xf32> -> vector<8192x64xf32>
    %bitcast_convert_type3A_35 = tpu.bitcast %dot_general3A_34 : vector<8192x64xf32> -> vector<8192x64xi32>
    %add3A_36 = arith.constant 32768 : i32
    %add3A_37 = vector.broadcast %add3A_36 : i32 to vector<8192x64xi32>
    %add3A_38 = arith.addi %bitcast_convert_type3A_35, %add3A_37 : vector<8192x64xi32>
    %shift_right_logical3A_39 = arith.constant 16 : i32
    %shift_right_logical3A_40 = vector.broadcast %shift_right_logical3A_39 : i32 to vector<8192x64xi32>
    %shift_right_logical3A_41 = arith.shrui %add3A_38, %shift_right_logical3A_40 : vector<8192x64xi32>
    %shift_left3A = arith.constant 16 : i32
    %shift_left3A_42 = vector.broadcast %shift_left3A : i32 to vector<8192x64xi32>
    %shift_left3A_43 = arith.shli %shift_right_logical3A_21, %shift_left3A_42 : vector<8192x64xi32>
    %or3A = arith.ori %shift_left3A_43, %shift_right_logical3A_11 : vector<8192x64xi32>
    %shift_left3A_44 = arith.constant 16 : i32
    %shift_left3A_45 = vector.broadcast %shift_left3A_44 : i32 to vector<8192x64xi32>
    %shift_left3A_46 = arith.shli %shift_right_logical3A_41, %shift_left3A_45 : vector<8192x64xi32>
    %or3A_47 = arith.ori %shift_left3A_46, %shift_right_logical3A_31 : vector<8192x64xi32>
    %concatenate3A = tpu.concatenate %or3A, %or3A_47 in 1 : vector<8192x64xi32>, vector<8192x64xi32> -> vector<8192x128xi32>
    %bitcast_convert_type3A_48 = tpu.bitcast %concatenate3A : vector<8192x128xi32> -> vector<8192x128xf32>
    %swap3A = arith.constant 0 : index
    %swap3A_49 = arith.constant 0 : index
    %swap3A_50 = vector.load %arg2[%swap3A, %swap3A_49] : memref<8192x128xf32, #tpu.memory_space<vmem>>, vector<8192x128xf32>
    tpu.vector_store %arg2[%swap3A, %swap3A_49], %bitcast_convert_type3A_48 {strides = array<i32>} : memref<8192x128xf32, #tpu.memory_space<vmem>>, vector<8192x128xf32>,
    return
  }
  func.func @transform_0(%arg0: i32) -> (i32, i32) {
    %c0_i32 = arith.constant 0 : i32
    %c0_i32_0 = arith.constant 0 : i32
    return %c0_i32, %arg0 : i32, i32
  }
  func.func @transform_1(%arg0: i32) -> (i32, i32) {
    %c0_i32 = arith.constant 0 : i32
    %c0_i32_0 = arith.constant 0 : i32
    return %arg0, %c0_i32 : i32, i32
  }
}

module attributes {stable_mosaic.version = 14 : i64} {
  func.func @_mlp_body(%arg0: i32, %arg1: memref<4096x128xf32, #tpu.memory_space<vmem>>, %arg2: memref<4096x1xi32, #tpu.memory_space<vmem>>, %arg3: memref<64x256xf32, #tpu.memory_space<vmem>>, %arg4: memref<1x256xf32, #tpu.memory_space<vmem>>, %arg5: memref<256x128xf32, #tpu.memory_space<vmem>>, %arg6: memref<1x128xf32, #tpu.memory_space<vmem>>, %arg7: memref<4096x128xf32, #tpu.memory_space<vmem>>) attributes {dimension_semantics = [#tpu.dimension_semantics<arbitrary>], iteration_bounds = array<i64: 4>, scalar_prefetch = 0 : i64, scratch_operands = 0 : i64, tpu.core_type = #tpu.core_type<tc>, window_params = [{transform_indices = @transform_0, window_bounds = array<i64: 4096, 128>}, {transform_indices = @transform_1, window_bounds = array<i64: 4096, 1>}, {pipeline_mode = #tpu.pipeline_mode<synchronous>, transform_indices = @transform_2, window_bounds = array<i64: 64, 256>}, {pipeline_mode = #tpu.pipeline_mode<synchronous>, transform_indices = @transform_3, window_bounds = array<i64: 1, 256>}, {pipeline_mode = #tpu.pipeline_mode<synchronous>, transform_indices = @transform_4, window_bounds = array<i64: 256, 128>}, {pipeline_mode = #tpu.pipeline_mode<synchronous>, transform_indices = @transform_5, window_bounds = array<i64: 1, 128>}, {transform_indices = @transform_6, window_bounds = array<i64: 4096, 128>}]} {
    %get3A = arith.constant 0 : index
    %get3A_0 = arith.constant 0 : index
    %get3A_1 = vector.load %arg1[%get3A, %get3A_0] : memref<4096x128xf32, #tpu.memory_space<vmem>>, vector<4096x128xf32>
    %bitcast_convert_type3A = tpu.bitcast %get3A_1 : vector<4096x128xf32> -> vector<4096x128xi32>
    %get3A_2 = arith.constant 0 : index
    %get3A_3 = arith.constant 0 : index
    %get3A_4 = vector.load %arg2[%get3A_2, %get3A_3] : memref<4096x1xi32, #tpu.memory_space<vmem>>, vector<4096x1xi32>
    %shift_right_arithmetic3A = arith.constant 13 : i32
    %shift_right_arithmetic3A_5 = vector.broadcast %shift_right_arithmetic3A : i32 to vector<4096x1xi32>
    %shift_right_arithmetic3A_6 = arith.shrsi %get3A_4, %shift_right_arithmetic3A_5 : vector<4096x1xi32>
    %and3A = arith.constant 3 : i32
    %and3A_7 = vector.broadcast %and3A : i32 to vector<4096x1xi32>
    %and3A_8 = arith.andi %shift_right_arithmetic3A_6, %and3A_7 : vector<4096x1xi32>
    %ge3A = arith.constant 2 : i32
    %ge3A_9 = vector.broadcast %ge3A : i32 to vector<4096x1xi32>
    %ge3A_10 = arith.cmpi sge, %and3A_8, %ge3A_9 : vector<4096x1xi32>
    %slice3A = vector.extract_strided_slice %bitcast_convert_type3A {offsets = [0, 64], sizes = [4096, 64], strides = [1, 1]} : vector<4096x128xi32> to vector<4096x64xi32>
    %slice3A_11 = vector.extract_strided_slice %bitcast_convert_type3A {offsets = [0, 0], sizes = [4096, 64], strides = [1, 1]} : vector<4096x128xi32> to vector<4096x64xi32>
    %broadcast_in_dim3A = vector.shape_cast %ge3A_10 : vector<4096x1xi1> to vector<4096x1xi1>
    %broadcast_in_dim3A_12 = vector.broadcast %broadcast_in_dim3A : vector<4096x1xi1> to vector<4096x64xi1>
    %select_n3A = arith.select %broadcast_in_dim3A_12, %slice3A, %slice3A_11 : vector<4096x64xi1>, vector<4096x64xi32>
    %and3A_13 = arith.constant 1 : i32
    %and3A_14 = vector.broadcast %and3A_13 : i32 to vector<4096x1xi32>
    %and3A_15 = arith.andi %and3A_8, %and3A_14 : vector<4096x1xi32>
    %eq3A = arith.constant 1 : i32
    %eq3A_16 = vector.broadcast %eq3A : i32 to vector<4096x1xi32>
    %eq3A_17 = arith.cmpi eq, %and3A_15, %eq3A_16 : vector<4096x1xi32>
    %shift_left3A = arith.constant 16 : i32
    %shift_left3A_18 = vector.broadcast %shift_left3A : i32 to vector<4096x64xi32>
    %shift_left3A_19 = arith.shli %select_n3A, %shift_left3A_18 : vector<4096x64xi32>
    %broadcast_in_dim3A_20 = vector.shape_cast %eq3A_17 : vector<4096x1xi1> to vector<4096x1xi1>
    %broadcast_in_dim3A_21 = vector.broadcast %broadcast_in_dim3A_20 : vector<4096x1xi1> to vector<4096x64xi1>
    %select_n3A_22 = arith.select %broadcast_in_dim3A_21, %select_n3A, %shift_left3A_19 : vector<4096x64xi1>, vector<4096x64xi32>
    %and3A_23 = arith.constant -65536 : i32
    %and3A_24 = vector.broadcast %and3A_23 : i32 to vector<4096x64xi32>
    %and3A_25 = arith.andi %select_n3A_22, %and3A_24 : vector<4096x64xi32>
    %bitcast_convert_type3A_26 = tpu.bitcast %and3A_25 : vector<4096x64xi32> -> vector<4096x64xf32>
    %get3A_27 = arith.constant 0 : index
    %get3A_28 = arith.constant 0 : index
    %get3A_29 = vector.load %arg3[%get3A_27, %get3A_28] : memref<64x256xf32, #tpu.memory_space<vmem>>, vector<64x256xf32>
    %dot_general3A = arith.constant dense<0.000000e+00> : vector<4096x256xf32>
    %dot_general3A_30 = tpu.matmul %bitcast_convert_type3A_26, %get3A_29, %dot_general3A {dimension_numbers = #tpu.dot_dimension_numbers<[1], [0], [0], [1], [0, 0, 1, 1], [], []>, transpose_lhs_hint = false} : vector<4096x64xf32>, vector<64x256xf32>, vector<4096x256xf32> -> vector<4096x256xf32>
    %get3A_31 = arith.constant 0 : index
    %get3A_32 = arith.constant 0 : index
    %get3A_33 = vector.load %arg4[%get3A_31, %get3A_32] : memref<1x256xf32, #tpu.memory_space<vmem>>, vector<1x256xf32>
    %add3A = vector.broadcast %get3A_33 : vector<1x256xf32> to vector<4096x256xf32>
    %add3A_34 = arith.addf %dot_general3A_30, %add3A : vector<4096x256xf32>
    %max3A = arith.constant 0.000000e+00 : f32
    %max3A_35 = vector.broadcast %max3A : f32 to vector<4096x256xf32>
    %max3A_36 = arith.maximumf %add3A_34, %max3A_35 : vector<4096x256xf32>
    %get3A_37 = arith.constant 0 : index
    %get3A_38 = arith.constant 0 : index
    %get3A_39 = vector.load %arg5[%get3A_37, %get3A_38] : memref<256x128xf32, #tpu.memory_space<vmem>>, vector<256x128xf32>
    %dot_general3A_40 = arith.constant dense<0.000000e+00> : vector<4096x128xf32>
    %dot_general3A_41 = tpu.matmul %max3A_36, %get3A_39, %dot_general3A_40 {dimension_numbers = #tpu.dot_dimension_numbers<[1], [0], [0], [1], [0, 0, 1, 1], [], []>, transpose_lhs_hint = false} : vector<4096x256xf32>, vector<256x128xf32>, vector<4096x128xf32> -> vector<4096x128xf32>
    %get3A_42 = arith.constant 0 : index
    %get3A_43 = arith.constant 0 : index
    %get3A_44 = vector.load %arg6[%get3A_42, %get3A_43] : memref<1x128xf32, #tpu.memory_space<vmem>>, vector<1x128xf32>
    %add3A_45 = vector.broadcast %get3A_44 : vector<1x128xf32> to vector<4096x128xf32>
    %add3A_46 = arith.addf %dot_general3A_41, %add3A_45 : vector<4096x128xf32>
    %max3A_47 = arith.constant 0.000000e+00 : f32
    %max3A_48 = vector.broadcast %max3A_47 : f32 to vector<4096x128xf32>
    %max3A_49 = arith.maximumf %add3A_46, %max3A_48 : vector<4096x128xf32>
    %swap3A = arith.constant 0 : index
    %swap3A_50 = arith.constant 0 : index
    %swap3A_51 = vector.load %arg7[%swap3A, %swap3A_50] : memref<4096x128xf32, #tpu.memory_space<vmem>>, vector<4096x128xf32>
    tpu.vector_store %arg7[%swap3A, %swap3A_50], %max3A_49 {strides = array<i32>} : memref<4096x128xf32, #tpu.memory_space<vmem>>, vector<4096x128xf32>,
    return
  }
  func.func @transform_0(%arg0: i32) -> (i32, i32) {
    %c0_i32 = arith.constant 0 : i32
    %c0_i32_0 = arith.constant 0 : i32
    return %arg0, %c0_i32 : i32, i32
  }
  func.func @transform_1(%arg0: i32) -> (i32, i32) {
    %c0_i32 = arith.constant 0 : i32
    %c0_i32_0 = arith.constant 0 : i32
    return %arg0, %c0_i32 : i32, i32
  }
  func.func @transform_2(%arg0: i32) -> (i32, i32) {
    %c0_i32 = arith.constant 0 : i32
    %c0_i32_0 = arith.constant 0 : i32
    %c0_i32_1 = arith.constant 0 : i32
    return %c0_i32, %c0_i32_0 : i32, i32
  }
  func.func @transform_3(%arg0: i32) -> (i32, i32) {
    %c0_i32 = arith.constant 0 : i32
    %c0_i32_0 = arith.constant 0 : i32
    %c0_i32_1 = arith.constant 0 : i32
    return %c0_i32, %c0_i32_0 : i32, i32
  }
  func.func @transform_4(%arg0: i32) -> (i32, i32) {
    %c0_i32 = arith.constant 0 : i32
    %c0_i32_0 = arith.constant 0 : i32
    %c0_i32_1 = arith.constant 0 : i32
    return %c0_i32, %c0_i32_0 : i32, i32
  }
  func.func @transform_5(%arg0: i32) -> (i32, i32) {
    %c0_i32 = arith.constant 0 : i32
    %c0_i32_0 = arith.constant 0 : i32
    %c0_i32_1 = arith.constant 0 : i32
    return %c0_i32, %c0_i32_0 : i32, i32
  }
  func.func @transform_6(%arg0: i32) -> (i32, i32) {
    %c0_i32 = arith.constant 0 : i32
    %c0_i32_0 = arith.constant 0 : i32
    return %arg0, %c0_i32 : i32, i32
  }
}

</mosaic_0001>

<sc_bundles>
// kernel: kernel.5.cloned.1.call-start
scs
__scs_entry_jumppad:
0x0: {  	(pc) =	sbr.rel $0x88, $3  }
0x1: {  	(tag) =	ssettag $0x0;
	lr =	simm.s32 $0x1  }
0x2: {  	[smem:$0x3F9B] =	sst lr;
	_ =	strace $0xD0000000  }
0x3: {  	_ = 	snop  }
0x4: {  	_ = 	snop  }
0x5: {  	_ = 	snop  }
0x6: {  	_ = 	snop  }
0x7: {  	_ = 	snop  }
__scs_overlays_trampoline_lowered:
0x8: {  	[smem:$0x3FAA] =	sst s0  }
0x9: {  	[smem:$0x3FAB] =	sst s1  }
0xa: {  	[smem:$0x3FAC] =	sst s2  }
0xb: {  	[smem:$0x3FAD] =	sst s3  }
0xc: {  	[smem:$0x3FAE] =	sst s4  }
0xd: {  	[smem:$0x3FAF] =	sst s5  }
0xe: {  	[smem:$0x3FB0] =	sst s6  }
0xf: {  	[smem:$0x3FB1] =	sst s7  }
0x10: {  	[smem:$0x3FB2] =	sst s8  }
0x11: {  	[smem:$0x3FB3] =	sst s9;
	s0 =	simm.s32 @!p0 $0x0  }
0x12: {  	s1 =	sld [smem:$0x3F99];
	s0 =	simm.s32 @p0 $0x1  }
0x13: {  	[smem:$0x3FB4] =	sst s0;
	s0 =	simm.s32 @!p1 $0x0  }
0x14: {  	s2 =	sld [smem:$0x3F98];
	s0 =	simm.s32 @p1 $0x1  }
0x15: {  	[smem:$0x3FB5] =	sst s0;
	s0 =	simm.s32 @!p2 $0x0  }
0x16: {  	s3 =	sld [smem:$0x3FDB];
	s0 =	simm.s32 @p2 $0x1  }
0x17: {  	s4 =	simm.s32 $0x1BF5;
	[smem:$0x3FB7] =	sst s0  }
0x18: {  	s0 =	sld [smem:$0x3F9A];
	_ =	swait.ge [sflag:s4], $0x0  }
0x19: {  	s7 =	sld [smem:$0x3F9B]  }
0x1a: {  	s8 =	sadd.s32 $0xFFFFE003, lr  }
0x1b: {  	s9 =	sadd.s32 $0xFFFFFEF7, lr;
	s5 =	simm.s32 $0xFFFFFFFF;
	p2 =	slt.u32 s8, $0xFFFFF086  }
0x1c: {  	p1 =	slt.u32 s9, $0xF7A;
	s5 =	simm.s32 @!p2 $0x0  }
0x1d: {  	s5 =	simm.s32 @p1 $0x1;
	p0 =	seq.s32 s7, s2  }
0x1e: {  	s7 =	smul.u32 @!p0 $0xF7A, s2;
	p2 =	seq.s32 @!p0 s5, $0x0  }
0x1f: {  	s9 =	smul.u32 $0xF7A, s1;
	s8 =	simm.s32 @!p0 $0x1BF5;
	p2 =	por !p2, p0  }
0x20: {  	[sflag:s8] =	ssyncset.s32 @!p0 $0xFFFFF086;
	s6 =	sadd.s32 @!p0 s3, s7;
	s7 =	simm.s32 @!p0 $0x108  }
0x21: {  	s3 =	sadd.s32 s3, s9;
	s6 =	sadd.s32 @!p0 $0x88, s6;
	s7 =	simm.s32 @p2 $0x1082  }
0x22: {  	[simem:s7], [sflag:s8] =	dma.local @!p0 [hbm:s6], $0xF7A  }
0x23: {  	s9 =	sor.u32 $0xD0000000, s2;
	s6 =	simm.s32 $0x108;
	_ =	swait.ge @!p0 [sflag:s8], $0x0  }
0x24: {  	s3 =	sadd.s32 $0x88, s3;
	s6 =	simm.s32 @!p1 $0x1082;
	[sflag:s4] =	ssyncset.s32 $0xFFFFF086  }
0x25: {  	[simem:s6], [sflag:s4] =	dma.local [hbm:s3], $0xF7A  }
0x26: {  	[smem:$0x3F9B] =	sst s1;
	(tag) =	ssettag s2;
	_ =	strace s9  }
0x27: {  	s1 =	sld [smem:$0x3FAB]  }
0x28: {  	s2 =	sld [smem:$0x3FAC]  }
0x29: {  	s4 =	sld [smem:$0x3FAE]  }
0x2a: {  	p0 =	seq.s32 s5, $0x0;
	s5 =	sld [smem:$0x3FAF]  }
0x2b: {  	s6 =	sld [smem:$0x3FB0]  }
0x2c: {  	s7 =	sld [smem:$0x3FB1]  }
0x2d: {  	s3 =	simm.s32 $0x108;
	s8 =	sld [smem:$0x3FB2]  }
0x2e: {  	s3 =	simm.s32 @!p0 $0x1082;
	s9 =	sld [smem:$0x3FB3]  }
0x2f: {  	lr =	sadd.s32 s0, s3;
	s0 =	sld [smem:$0x3FAA]  }
0x30: {  	s3 =	sld [smem:$0x3FAD]  }
0x31: {  	[smem:$0x3FB6] =	sst s10  }
0x32: {  	s10 =	sld [smem:$0x3FB4];
	_ =	sdelay $0x3  }
0x33: {  	p0 =	seq.s32 s10, $0x1;
	s10 =	sld [smem:$0x3FB6];
	_ =	sdelay $0x3  }
0x34: {  	[smem:$0x3FB6] =	sst s10  }
0x35: {  	s10 =	sld [smem:$0x3FB5];
	_ =	sdelay $0x3  }
0x36: {  	p1 =	seq.s32 s10, $0x1;
	s10 =	sld [smem:$0x3FB6];
	_ =	sdelay $0x3  }
0x37: {  	[smem:$0x3FB6] =	sst s10  }
0x38: {  	s10 =	sld [smem:$0x3FB7]  }
0x39: {  	_ = 	snop;
	(pc) =	sbr.ind lr, $3  }
0x3a: {  	_ = 	snop  }
0x3b: {  	_ = 	snop  }
0x3c: {  	p2 =	seq.s32 s10, $0x1;
	s10 =	sld [smem:$0x3FB6]  }
0x3d: {  	_ =	shalt  }
0x3e: {  	_ =	shalt  }
0x3f: {  	_ =	shalt  }
0x40: {  	_ =	shalt  }
0x41: {  	_ =	shalt  }
0x42: {  	_ =	shalt  }
0x43: {  	_ =	shalt  }
0x44: {  	_ =	shalt  }
0x45: {  	_ =	shalt  }
0x46: {  	_ =	shalt  }
0x47: {  	_ =	shalt  }
0x48: {  	_ =	shalt  }
0x49: {  	_ =	shalt  }
0x4a: {  	_ =	shalt  }
0x4b: {  	_ =	shalt  }
0x4c: {  	_ =	shalt  }
0x4d: {  	_ =	shalt  }
0x4e: {  	_ =	shalt  }
0x4f: {  	_ =	shalt  }
0x50: {  	_ =	shalt  }
0x51: {  	_ =	shalt  }
0x52: {  	_ =	shalt  }
0x53: {  	_ =	shalt  }
0x54: {  	_ =	shalt  }
0x55: {  	_ =	shalt  }
0x56: {  	_ =	shalt  }
0x57: {  	_ =	shalt  }
0x58: {  	_ =	shalt  }
0x59: {  	_ =	shalt  }
0x5a: {  	_ =	shalt  }
0x5b: {  	_ =	shalt  }
0x5c: {  	_ =	shalt  }
0x5d: {  	_ =	shalt  }
0x5e: {  	_ =	shalt  }
0x5f: {  	_ =	shalt  }
0x60: {  	_ =	shalt  }
0x61: {  	_ =	shalt  }
0x62: {  	_ =	shalt  }
0x63: {  	_ =	shalt  }
0x64: {  	_ =	shalt  }
0x65: {  	_ =	shalt  }
0x66: {  	_ =	shalt  }
0x67: {  	_ =	shalt  }
0x68: {  	_ =	shalt  }
0x69: {  	_ =	shalt  }
0x6a: {  	_ =	shalt  }
0x6b: {  	_ =	shalt  }
0x6c: {  	_ =	shalt  }
0x6d: {  	_ =	shalt  }
0x6e: {  	_ =	shalt  }
0x6f: {  	_ =	shalt  }
0x70: {  	_ =	shalt  }
0x71: {  	_ =	shalt  }
0x72: {  	_ =	shalt  }
0x73: {  	_ =	shalt  }
0x74: {  	_ =	shalt  }
0x75: {  	_ =	shalt  }
0x76: {  	_ =	shalt  }
0x77: {  	_ =	shalt  }
0x78: {  	_ =	shalt  }
0x79: {  	_ =	shalt  }
0x7a: {  	_ =	shalt  }
0x7b: {  	_ =	shalt  }
0x7c: {  	_ =	shalt  }
0x7d: {  	_ =	shalt  }
0x7e: {  	_ =	shalt  }
0x7f: {  	_ =	shalt  }
0x80: {  	_ =	shalt  }
0x81: {  	_ =	shalt  }
0x82: {  	_ =	shalt  }
0x83: {  	_ =	shalt  }
0x84: {  	_ =	shalt  }
0x85: {  	_ =	shalt  }
0x86: {  	_ =	shalt  }
0x87: {  	_ =	shalt  }
.Lfunc_end0:
.L_simem_size_0:
called_computation_lowered:
.L_overlay_start_0:
0x88: {  	s2 =	sld [smem:$0x3FD9]  }
0x89: {  	s3 =	sld [smem:$0x3FFE];
	_ =	sdelay $0x1  }
0x8a: {  	s1 =	srdreg.scid  }
0x8b: {  	s0 =	sand.u32 $0x1, s1  }
0x8c: {  	s17 =	sshll.u32 s0, $0xA;
	s2 =	sadd.s32 s3, s2  }
0x8d: {  	s2 =	sadd.s32 s2, s17  }
0x8e: {  	[smem:$0x3FC2] =	sst s2  }
0x8f: {  	_ = 	snop  }
0x90: {  	s2 =	sld [smem:$0x3FC9]  }
0x91: {  	s18 =	sld [smem:$0x3FD0];
	(tm) =	ssettm $0x1  }
0x92: {  	s4 =	sld [smem:$0x3FFB];
	_ =	sdelay $0x3  }
0x93: {  	_ =	strace s4  }
0x94: {  	s4 =	sld [smem:$0x3FFC];
	_ =	sdelay $0x3  }
0x95: {  	_ =	strace s4  }
0x96: {  	s4 =	sld [smem:$0x3FFD];
	_ =	sdelay $0x3  }
0x97: {  	_ =	strace s4  }
0x98: {  	_ =	strace $0x8FFFFFFF  }
0x99: {  	s19 =	sld [smem:$0x3FDB];
	_ =	sdelay $0x1  }
0x9a: {  	s5 =	simm.s32 $_scs_section_size  }
0x9b: {  	s6 =	simm.s32 $_size__tile_overlayer_lowered;
	s7 =	simm.s32 $_tile_overlayer_lowered  }
0x9c: {  	s22 =	simm.s32 $0x1BFF;
	s21 =	sshll.u32 s7, $0x1;
	s4 =	sadd.s32 s5, s19  }
0x9d: {  	s8 =	simm.s32 $0x0;
	s20 =	sshll.u32 s6, $0x1;
	s6 =	sadd.s32 s21, s4  }
0x9e: {  	[timem:s8], [sflag:s22] =	dma.local [hbm:s6], s20  }
0x9f: {  	_ =	swait.ge [sflag:s22], s20  }
0xa0: {  	s5 =	ssub.s32 $0x0, s20;
	[sflag:s22] =	ssyncset.done $0x0  }
0xa1: {  	[sflag:s22] =	ssyncadd.s32 s5;
	_ =	sdelay $0x1  }
0xa2: {  	s23 =	simm.s32 $0x1B8B  }
0xa3: {  	_ =	swait.ge [sflag:s23], $0x1  }
0xa4: {  	[sflag:s23] =	ssyncset.done $0x0  }
0xa5: {  	s25 =	simm.s32 $0x1B8E;
	s24 =	sld [smem:$0x3FFE];
	[sflag:s23] =	ssyncadd.s32 $0xFFFFFFFF  }
0xa6: {  	s26 =	simm.s32 $execute0_lowered;
	[smem:$0x3FD2] =	sst s25  }
0xa7: {  	s6 =	sshll.u32 s26, $0x1;
	_ =	strace $0x80000046;
	[dreg:$0x1] =	wrdreg $0xFFFFFFFF  }
0xa8: {  	s28 =	simm.s32 $_size_execute0_lowered;
	s4 =	sadd.s32 s4, s6;
	[dreg:$0x0] =	wrdreg $0x0  }
0xa9: {  	s6 =	sshll.u32 s28, $0x1;
	[dreg:$0x2] =	wrdreg s4  }
0xaa: {  	[dreg:$0x3] =	wrdreg s6  }
0xab: {  	[dreg:$0x4] =	wrdreg $0xC0  }
0xac: {  	_ =	task [dreg:s8], $0x5FFFF  }
0xad: {  	[dreg:$0x1] =	wrdreg $0xFFFFFFFF  }
0xae: {  	[dreg:$0x0] =	wrdreg $0x60  }
0xaf: {  	[dreg:$0x2] =	wrdreg s2  }
0xb0: {  	[dreg:$0x3] =	wrdreg s24  }
0xb1: {  	[dreg:$0x4] =	wrdreg s18  }
0xb2: {  	[dreg:$0x5] =	wrdreg $0x9  }
0xb3: {  	_ =	task.clear_ibuf [dreg:s8], $0x6FFFF;
	_ =	strace $0x90000046  }
0xb4: {  	s29 =	simm.s32 $0x9;
	_ =	strace $0x80000048  }
0xb5: {  	_ =	swait.ge [sflag:s29], $0x1  }
0xb6: {  	[sflag:s29] =	ssyncadd.s32 $0xFFFFFFFF  }
0xb7: {  	_ =	strace $0x90000048  }
0xb8: {  	_ =	sfence  }
0xb9: {  	s30 =	sld [smem:$0x0];
	_ =	sdelay $0x2  }
0xba: {  	s31 =	sshll.u32 s1, $0xD;
	s1 =	sshrl.u32 s1, $0x2  }
0xbb: {  	s3 =	sand.u32 $0x4000, s31;
	s1 =	sadd.s32 s1, s30  }
0xbc: {  	s0 =	sor.u32 s3, s0;
	s1 =	sshll.u32 s1, $0x11  }
0xbd: {  	s0 =	sor.u32 s1, s0  }
0xbe: {  	s0 =	sadd.s32 $0x8F2B, s0  }
0xbf: {  	[sflag:s0] =	ssyncadd.remote.s32 $0x1  }
0xc0: {  	_ =	sfence.sel $0xFFFF  }
0xc1: {  	[dreg:$0x0] =	wrdreg $0xFFFFFFFF;
	(pc) =	sbr.abs _section_cstart, $3  }
0xc2: {  	[dreg:$0x1] =	wrdreg $0xFFFFFFFF  }
0xc3: {  	_ =	task.clear_ibuf [dreg:s8], $0x2FFFF;
	_ =	strace $0x9FFFFFFF  }
0xc4: {  	(tm) =	ssettm $0x7FFFFFFF  }
0xc5: {  	_ =	shalt  }
tec
execute0_lowered:
.L_overlay_start_1:
0x0: {  	(tag) =	ssettag $0x1  }
0x1: {  	s3 =	rddreg [dreg:$0x0]  }
0x2: {  	s4 =	rddreg [dreg:$0x1]  }
0x3: {  	s6 =	rddreg [dreg:$0x2];
	s5 =	srdreg.scid  }
0x4: {  	s0 =	rddreg [dreg:$0x3];
	s2 =	simm.s32 $0x0;
	s7 =	sand.u32 $0x1, s5  }
0x5: {  	s1 =	stileid.u32;
	s10 =	simm.s32 $0x280;
	s29 =	ssub.s32 $0x2, s7  }
0x6: {  	s8 =	sshll.u32 s1, $0xA;
	s9 =	sshll.u32 s7, $0x9;
	s31 =	sshrl.u32 s29, $0x1  }
0x7: {  	s11 =	simm.s32 $0x4400;
	s30 =	sor.u32 s9, s8;
	s8 =	ssub.s32 s29, s31  }
0x8: {  	s12 =	simm.s32 $0x300;
	s13 =	simm.s32 $0x8400;
	s17 =	smax.u32 s8, $0x1  }
0x9: {  	s14 =	simm.s32 $0x380;
	s15 =	simm.s32 $0xC400;
	p1 =	sne.s32 s17, $0x1  }
.Ltmp0:
0xa: {  	p0 =	por $0x0, $0x0;
	[smem:$0x7FF] =	sst s2;
	(pc) =	sbr.rel @!p1 .LBB2_3-.Ltmp0, $4  }
0xb: {  	s5 =	sadd.s32 $0x1000, s4;
	s9 =	sshrl.u32 s30, $0x3;
	s7 =	sshll.u32 s30, $0x4  }
0xc: {  	_ =	strace $0x80000047;
	s16 =	sadd.s32 s3, s9;
	s4 =	sadd.s32 s6, s7  }
0xd: {  	s3 =	simm.s32 $0x2;
	s8 =	simm.s32 $0x80;
	s9 =	simm.s32 $0x200  }
0xe: {  	s6 =	simm.s32 $0x400;
	s7 =	simm.s32 $0x1;
	s17 =	sadd.s32 $0xFFFFFFFF, s17  }
0xf: {  	[tilespmem:s2], [sflag:$0x2] =	stream.linear.gather [hbm4b:s16+s2], $0x200, $0x38;
	[tilespmem:$0x10400] =	vst v63  }
0x10: {  	_ =	swait.ge [sflag:s3], $0x200  }
0x11: {  	[sflag:s3] =	ssyncset.done $0x0  }
0x12: {  	[sflag:s3] =	ssyncadd.s32 $0xFFFFFE00  }
0x13: {  	v0 =	vld [tilespmem:$0x190]  }
0x14: {  	v1 =	vld [tilespmem:$0x1A0]  }
0x15: {  	v2 =	vld [tilespmem:$0x140]  }
0x16: {  	v3 =	vld [tilespmem:$0x1E0]  }
0x17: {  	v4 =	vld [tilespmem:$0x1D0]  }
0x18: {  	v7 =	vld [tilespmem:$0x1F0]  }
0x19: {  	v8 =	vld [tilespmem:$0x80]  }
0x1a: {  	v35 =	vld [tilespmem:$0x1B0]  }
0x1b: {  	v11 =	vld [tilespmem:$0x30]  }
0x1c: {  	v37 =	vld [tilespmem:$0x70]  }
0x1d: {  	v38 =	vld [tilespmem:$0x20]  }
0x1e: {  	v15 =	vld [tilespmem:$0x60]  }
0x1f: {  	v39 =	vld [tilespmem:$0x10]  }
0x20: {  	v17 =	vld [tilespmem:$0xB0]  }
0x21: {  	v42 =	vld [tilespmem:$0x0];
	v5 =	vshra.s32 v0, $0x2  }
0x22: {  	v43 =	vld [tilespmem:$0x40];
	v0 =	vand.u32 $0x1FFF, v0;
	v6 =	vshra.s32 v1, $0x2;
	v9 =	vand.u32 $0x1FFF, v2  }
0x23: {  	v46 =	vld [tilespmem:$0x50];
	v2 =	vshra.s32 v2, $0x2;
	v1 =	vand.u32 $0x1FFF, v1;
	v10 =	vand.u32 $0x1FFF, v3  }
0x24: {  	v51 =	vld [tilespmem:$0xC0];
	v36 =	vshra.s32 v4, $0x2;
	v3 =	vshra.s32 v3, $0x2;
	v4 =	vand.u32 $0x1FFF, v4  }
0x25: {  	v53 =	vld [tilespmem:$0xA0];
	v12 =	vshra.s32 v7, $0x2;
	v7 =	vand.u32 $0x1FFF, v7;
	v13 =	vshra.s32 v8, $0x2  }
0x26: {  	v56 =	vld [tilespmem:$0x90];
	v8 =	vand.u32 $0x1FFF, v8;
	v14 =	vand.u32 $0x1FFF, v35;
	v16 =	vshra.s32 v11, $0x2  }
0x27: {  	v59 =	vld [tilespmem:$0x110];
	v41 =	vshra.s32 v37, $0x2;
	v11 =	vand.u32 $0x1FFF, v11;
	v44 =	vshra.s32 v38, $0x2  }
0x28: {  	v45 =	vand.u32 $0x1FFF, v15;
	v47 =	vshra.s32 v39, $0x2;
	v15 =	vshra.s32 v15, $0x2  }
0x29: {  	v48 =	vand.u32 $0x1FFF, v39;
	v50 =	vand.u32 $0x1FFF, v17;
	v54 =	vshra.s32 v17, $0x2  }
0x2a: {  	v55 =	vshra.s32 v42, $0x2;
	v58 =	vshra.s32 v43, $0x2;
	v60 =	vshra.s32 v46, $0x2  }
0x2b: {  	v18 =	vld [tilespmem:$0xF0];
	v63 =	vand.u32 $0x1FFF, v51;
	v21 =	vshra.s32 v53, $0x2;
	v23 =	vshra.s32 v56, $0x2  }
0x2c: {  	v22 =	vld [tilespmem:$0xD0];
	v25 =	vand.u32 $0x1FFF, v59;
	v27 =	vand.u32 $0x1FFF, v56;
	v5 =	vand.u32 $0xFFFFE000, v5  }
0x2d: {  	v26 =	vld [tilespmem:$0x180];
	v28 =	vand.u32 $0x1FFF, v53;
	v3 =	vand.u32 $0xFFFFE000, v3;
	v0 =	vor.u32 v0, v5  }
0x2e: {  	v29 =	vshra.s32 v59, $0x2;
	v13 =	vand.u32 $0xFFFFE000, v13;
	v3 =	vor.u32 v10, v3;
	[tilespmem:$0x390] =	vst v0  }
0x2f: {  	v30 =	vshra.s32 v51, $0x2;
	v12 =	vand.u32 $0xFFFFE000, v12;
	v8 =	vor.u32 v8, v13;
	[tilespmem:$0x3E0] =	vst v3  }
0x30: {  	v32 =	vshra.s32 v18, $0x2;
	v40 =	vand.u32 $0xFFFFE000, v16;
	v7 =	vor.u32 v7, v12;
	[tilespmem:$0x280] =	vst v8  }
0x31: {  	v33 =	vshra.s32 v22, $0x2;
	v49 =	vand.u32 $0xFFFFE000, v15;
	v10 =	vor.u32 v11, v40;
	[tilespmem:$0x3F0] =	vst v7  }
0x32: {  	v39 =	vand.u32 $0x1FFF, v26;
	v34 =	vand.u32 $0xFFFFE000, v6;
	v12 =	vor.u32 v45, v49;
	[tilespmem:$0x230] =	vst v10  }
0x33: {  	v61 =	vld [tilespmem:$0x100];
	v2 =	vand.u32 $0xFFFFE000, v2;
	v6 =	vshra.s32 v35, $0x2;
	v1 =	vor.u32 v1, v34;
	[tilespmem:$0x260] =	vst v12  }
0x34: {  	v16 =	vand.u32 $0xFFFFE000, v41;
	v2 =	vor.u32 v9, v2;
	v5 =	vand.u32 $0xFFFFE000, v36;
	[tilespmem:$0x3A0] =	vst v1  }
0x35: {  	v52 =	vand.u32 $0xFFFFE000, v47;
	v6 =	vand.u32 $0xFFFFE000, v6;
	v4 =	vor.u32 v4, v5;
	[tilespmem:$0x340] =	vst v2  }
0x36: {  	v57 =	vand.u32 $0xFFFFE000, v55;
	v9 =	vand.u32 $0x1FFF, v37;
	v6 =	vor.u32 v14, v6;
	[tilespmem:$0x3D0] =	vst v4  }
0x37: {  	v62 =	vand.u32 $0xFFFFE000, v60;
	v24 =	vand.u32 $0xFFFFE000, v23;
	v9 =	vor.u32 v9, v16;
	[tilespmem:$0x3B0] =	vst v6  }
0x38: {  	v41 =	vshra.s32 v61, $0x2;
	v13 =	vand.u32 $0xFFFFE000, v29;
	v7 =	vor.u32 v48, v52;
	[tilespmem:$0x270] =	vst v9  }
0x39: {  	v31 =	vld [tilespmem:$0x170];
	v11 =	vand.u32 $0xFFFFE000, v44;
	v5 =	vand.u32 $0x1FFF, v38;
	v8 =	vor.u32 v25, v13;
	[tilespmem:$0x210] =	vst v7  }
0x3a: {  	v34 =	vand.u32 $0x1FFF, v61;
	v14 =	vand.u32 $0xFFFFE000, v54;
	v5 =	vor.u32 v5, v11;
	[tilespmem:$0x310] =	vst v8  }
0x3b: {  	v36 =	vand.u32 $0xFFFFE000, v33;
	v3 =	vand.u32 $0x1FFF, v46;
	v14 =	vor.u32 v50, v14;
	[tilespmem:$0x220] =	vst v5  }
0x3c: {  	v51 =	vld [tilespmem:$0x1C0];
	v37 =	vand.u32 $0x1FFF, v22;
	v0 =	vand.u32 $0x1FFF, v42;
	v3 =	vor.u32 v3, v62;
	[tilespmem:$0x2B0] =	vst v14  }
0x3d: {  	v35 =	vld [tilespmem:$0xE0];
	v10 =	vand.u32 $0xFFFFE000, v58;
	v4 =	vand.u32 $0x1FFF, v43;
	v0 =	vor.u32 v0, v57;
	[tilespmem:$0x250] =	vst v3  }
0x3e: {  	v44 =	vshra.s32 v31, $0x2;
	v38 =	vand.u32 $0x1FFF, v18;
	v4 =	vor.u32 v4, v10;
	[tilespmem:$0x200] =	vst v0  }
0x3f: {  	v42 =	vand.u32 $0xFFFFE000, v41;
	v6 =	vand.u32 $0xFFFFE000, v32;
	v3 =	vor.u32 v27, v24;
	[tilespmem:$0x240] =	vst v4  }
0x40: {  	v11 =	vand.u32 $0xFFFFE000, v30;
	v5 =	vand.u32 $0xFFFFE000, v21;
	v6 =	vor.u32 v38, v6;
	[tilespmem:$0x290] =	vst v3  }
0x41: {  	v40 =	vld [tilespmem:$0x120];
	v10 =	vshra.s32 v26, $0x2;
	v9 =	vor.u32 v63, v11;
	v57 =	vshra.s32 v51, $0x2;
	[tilespmem:$0x2F0] =	vst v6  }
0x42: {  	v46 =	vld [tilespmem:$0x130];
	v60 =	vand.u32 $0x1FFF, v51;
	v5 =	vor.u32 v28, v5;
	v45 =	vshra.s32 v35, $0x2;
	[tilespmem:$0x2C0] =	vst v9  }
0x43: {  	v48 =	vld [tilespmem:$0x160];
	v4 =	vand.u32 $0x1FFF, v31;
	v6 =	vand.u32 $0xFFFFE000, v44;
	v3 =	vor.u32 v34, v42;
	[tilespmem:$0x2A0] =	vst v5  }
0x44: {  	v43 =	vld [tilespmem:$0x150];
	v0 =	vand.u32 $0x1FFF, v35;
	v50 =	vand.u32 $0xFFFFE000, v10;
	v4 =	vor.u32 v4, v6;
	[tilespmem:$0x300] =	vst v3  }
0x45: {  	v59 =	vand.u32 $0xFFFFE000, v57;
	v47 =	vand.u32 $0xFFFFE000, v45;
	v5 =	vor.u32 v37, v36;
	[tilespmem:$0x370] =	vst v4  }
0x46: {  	v49 =	vand.u32 $0x1FFF, v40;
	v1 =	vshra.s32 v40, $0x2;
	v62 =	vor.u32 v60, v59;
	[tilespmem:$0x2D0] =	vst v5  }
0x47: {  	v4 =	vor.u32 v39, v50;
	v0 =	vor.u32 v0, v47;
	v1 =	vand.u32 $0xFFFFE000, v1;
	[tilespmem:$0x3C0] =	vst v62  }
0x48: {  	v53 =	vshra.s32 v46, $0x2;
	v54 =	vshra.s32 v48, $0x2;
	v56 =	vand.u32 $0x1FFF, v48;
	[tilespmem:$0x380] =	vst v4  }
0x49: {  	v52 =	vshra.s32 v43, $0x2;
	v1 =	vor.u32 v49, v1;
	v55 =	vand.u32 $0xFFFFE000, v54;
	[tilespmem:$0x2E0] =	vst v0  }
0x4a: {  	v2 =	vand.u32 $0x1FFF, v43;
	v3 =	vand.u32 $0xFFFFE000, v52;
	[tilespmem:$0x320] =	vst v1;
	v58 =	vor.u32 v56, v55  }
0x4b: {  	v61 =	vand.u32 $0x1FFF, v46;
	v2 =	vor.u32 v2, v3;
	v3 =	vand.u32 $0xFFFFE000, v53;
	[tilespmem:$0x360] =	vst v58  }
0x4c: {  	[tilespmem:$0x350] =	vst v2;
	v63 =	vor.u32 v61, v3  }
0x4d: {  	[tilespmem:$0x330] =	vst v63  }
0x4e: {  	[tilespmem:s6], [sflag:$0x1] =	stream.indirect.gather [hbm4b:s5+s8], $0x80, s9, s8, $0xb8;
	[tilespmem:$0x10400] =	vst v63  }
0x4f: {  	_ = 	snop  }
0x50: {  	[tilespmem:s11], [sflag:$0x1] =	stream.indirect.gather [hbm4b:s5+s8], $0x80, s10, s8, $0xb8;
	[tilespmem:$0x10400] =	vst v63  }
0x51: {  	_ = 	snop  }
0x52: {  	[tilespmem:s13], [sflag:$0x1] =	stream.indirect.gather [hbm4b:s5+s8], $0x80, s12, s8, $0xb8;
	[tilespmem:$0x10400] =	vst v63  }
0x53: {  	_ = 	snop  }
0x54: {  	[tilespmem:s15], [sflag:$0x1] =	stream.indirect.gather [hbm4b:s5+s8], $0x80, s14, s8, $0xb8;
	[tilespmem:$0x10400] =	vst v63  }
0x55: {  	_ =	swait.ge [sflag:s7], $0x4000  }
0x56: {  	[sflag:s7] =	ssyncset.done $0x0  }
0x57: {  	[sflag:s7] =	ssyncadd.s32 $0xFFFFC000  }
0x58: {  	_ =	swait.ge [sflag:s7], $0x4000  }
0x59: {  	[sflag:s7] =	ssyncset.done $0x0  }
0x5a: {  	[sflag:s7] =	ssyncadd.s32 $0xFFFFC000  }
0x5b: {  	_ =	swait.ge [sflag:s7], $0x4000  }
0x5c: {  	[sflag:s7] =	ssyncset.done $0x0  }
0x5d: {  	p1 =	sne.s32 s17, $0x1;
	[sflag:s7] =	ssyncadd.s32 $0xFFFFC000  }
.Ltmp1:
0x5e: {  	_ =	swait.ge [sflag:s7], $0x4000;
	(pc) =	sbr.rel @!p1 .LBB2_3-.Ltmp1, $4  }
0x5f: {  	[sflag:s7] =	ssyncset.done $0x0  }
0x60: {  	[sflag:s7] =	ssyncadd.s32 $0xFFFFC000  }
0x61: {  	[hbm4b:s4+s2] =	stream.linear.scatter [tilespmem:s6], [sflag:$0x2], $0x10000, $0x38;
	[tilespmem:$0x10400] =	vst v63  }
0x62: {  	s17 =	sadd.s32 $0xFFFFFFFF, s17;
	p0 =	por $0x1, $0x1;
	_ =	swait.ge [sflag:s3], $0x10000  }
.LBB2_2:
0x63: {  	p1 =	sne.s32 s17, $0x1;
	s17 =	sadd.s32 $0xFFFFFFFF, s17;
	[sflag:s3] =	ssyncset.done $0x0  }
0x64: {  	[sflag:s3] =	ssyncadd.s32 $0xFFFF0000  }
0x65: {  	[tilespmem:s2], [sflag:$0x2] =	stream.linear.gather [hbm4b:s16+s2], $0x200, $0x38;
	[tilespmem:$0x10400] =	vst v63  }
0x66: {  	_ =	swait.ge [sflag:s3], $0x200  }
0x67: {  	[sflag:s3] =	ssyncset.done $0x0  }
0x68: {  	[sflag:s3] =	ssyncadd.s32 $0xFFFFFE00  }
0x69: {  	v0 =	vld [tilespmem:$0x190]  }
0x6a: {  	v1 =	vld [tilespmem:$0x1A0]  }
0x6b: {  	v2 =	vld [tilespmem:$0x140]  }
0x6c: {  	v3 =	vld [tilespmem:$0x1E0]  }
0x6d: {  	v4 =	vld [tilespmem:$0x1D0]  }
0x6e: {  	v5 =	vshra.s32 v0, $0x2  }
0x6f: {  	v0 =	vand.u32 $0x1FFF, v0;
	v5 =	vand.u32 $0xFFFFE000, v5;
	v6 =	vshra.s32 v1, $0x2;
	v7 =	vld [tilespmem:$0x1F0]  }
0x70: {  	v8 =	vld [tilespmem:$0x80];
	v9 =	vand.u32 $0x1FFF, v2;
	v5 =	vor.u32 v0, v5;
	v0 =	vand.u32 $0xFFFFE000, v6  }
0x71: {  	v1 =	vand.u32 $0x1FFF, v1;
	v2 =	vshra.s32 v2, $0x2;
	v6 =	vld [tilespmem:$0x1B0];
	v10 =	vand.u32 $0x1FFF, v3  }
0x72: {  	v2 =	vand.u32 $0xFFFFE000, v2;
	v1 =	vor.u32 v1, v0;
	v11 =	vld [tilespmem:$0x30];
	v12 =	vshra.s32 v4, $0x2  }
0x73: {  	v3 =	vshra.s32 v3, $0x2;
	v0 =	vor.u32 v9, v2;
	v13 =	vld [tilespmem:$0x70];
	v2 =	vand.u32 $0xFFFFE000, v12  }
0x74: {  	v4 =	vand.u32 $0x1FFF, v4;
	v9 =	vshra.s32 v7, $0x2;
	v7 =	vand.u32 $0x1FFF, v7  }
0x75: {  	v3 =	vand.u32 $0xFFFFE000, v3;
	v2 =	vor.u32 v4, v2;
	v12 =	vld [tilespmem:$0x20];
	v14 =	vshra.s32 v8, $0x2  }
0x76: {  	v8 =	vand.u32 $0x1FFF, v8;
	v4 =	vand.u32 $0xFFFFE000, v14;
	[tilespmem:$0x390] =	vst v5;
	v5 =	vand.u32 $0x1FFF, v6  }
0x77: {  	v6 =	vshra.s32 v6, $0x2;
	v14 =	vld [tilespmem:$0x60];
	v4 =	vor.u32 v8, v4;
	[tilespmem:$0x3D0] =	vst v2;
	v2 =	vand.u32 $0xFFFFE000, v9  }
0x78: {  	v3 =	vor.u32 v10, v3;
	v9 =	vshra.s32 v11, $0x2;
	v6 =	vand.u32 $0xFFFFE000, v6;
	v8 =	vld [tilespmem:$0x10]  }
0x79: {  	v9 =	vand.u32 $0xFFFFE000, v9;
	v10 =	vshra.s32 v13, $0x2;
	v13 =	vand.u32 $0x1FFF, v13;
	v15 =	vld [tilespmem:$0xB0];
	[tilespmem:$0x3E0] =	vst v3  }
0x7a: {  	v11 =	vand.u32 $0x1FFF, v11;
	v2 =	vor.u32 v7, v2;
	v10 =	vand.u32 $0xFFFFE000, v10;
	v3 =	vld [tilespmem:$0x0];
	[tilespmem:$0x280] =	vst v4  }
0x7b: {  	v5 =	vor.u32 v5, v6;
	v4 =	vor.u32 v11, v9;
	v9 =	vor.u32 v13, v10;
	v7 =	vld [tilespmem:$0x40]  }
0x7c: {  	v6 =	vshra.s32 v12, $0x2;
	v10 =	vand.u32 $0x1FFF, v12;
	v11 =	vld [tilespmem:$0x50];
	v12 =	vand.u32 $0x1FFF, v14;
	[tilespmem:$0x3F0] =	vst v2  }
0x7d: {  	v6 =	vand.u32 $0xFFFFE000, v6;
	v2 =	vshra.s32 v8, $0x2;
	[tilespmem:$0x230] =	vst v4;
	v4 =	vshra.s32 v14, $0x2  }
0x7e: {  	v8 =	vand.u32 $0x1FFF, v8;
	v4 =	vand.u32 $0xFFFFE000, v4;
	v13 =	vand.u32 $0x1FFF, v15;
	v14 =	vld [tilespmem:$0xC0];
	[tilespmem:$0x3B0] =	vst v5  }
0x7f: {  	v2 =	vand.u32 $0xFFFFE000, v2;
	v4 =	vor.u32 v12, v4;
	[tilespmem:$0x270] =	vst v9;
	v5 =	vld [tilespmem:$0xA0];
	v9 =	vshra.s32 v15, $0x2  }
0x80: {  	v6 =	vor.u32 v10, v6;
	v12 =	vshra.s32 v3, $0x2;
	v10 =	vld [tilespmem:$0x90];
	v9 =	vand.u32 $0xFFFFE000, v9  }
0x81: {  	v12 =	vand.u32 $0xFFFFE000, v12;
	[tilespmem:$0x220] =	vst v6;
	v6 =	vshra.s32 v7, $0x2;
	v9 =	vor.u32 v13, v9;
	v13 =	vld [tilespmem:$0x110]  }
0x82: {  	v3 =	vand.u32 $0x1FFF, v3;
	v15 =	vshra.s32 v11, $0x2;
	v11 =	vand.u32 $0x1FFF, v11;
	[tilespmem:$0x260] =	vst v4;
	v4 =	vld [tilespmem:$0x100]  }
0x83: {  	v7 =	vand.u32 $0x1FFF, v7;
	v15 =	vand.u32 $0xFFFFE000, v15;
	v16 =	vand.u32 $0x1FFF, v14;
	v17 =	vld [tilespmem:$0xF0]  }
0x84: {  	v6 =	vand.u32 $0xFFFFE000, v6;
	v11 =	vor.u32 v11, v15;
	v15 =	vshra.s32 v5, $0x2;
	v18 =	vld [tilespmem:$0xD0]  }
0x85: {  	v2 =	vor.u32 v8, v2;
	v6 =	vor.u32 v7, v6;
	v7 =	vshra.s32 v10, $0x2;
	[tilespmem:$0x2B0] =	vst v9  }
0x86: {  	[tilespmem:$0x210] =	vst v2;
	v2 =	vand.u32 $0xFFFFE000, v7;
	v7 =	vand.u32 $0xFFFFE000, v15;
	v8 =	vand.u32 $0x1FFF, v13;
	v9 =	vld [tilespmem:$0x180]  }
0x87: {  	v5 =	vand.u32 $0x1FFF, v5;
	v10 =	vand.u32 $0x1FFF, v10;
	[tilespmem:$0x250] =	vst v11;
	v11 =	vshra.s32 v13, $0x2;
	v13 =	vld [tilespmem:$0x170]  }
0x88: {  	v5 =	vor.u32 v5, v7;
	v7 =	vshra.s32 v14, $0x2;
	v14 =	vshra.s32 v17, $0x2;
	v15 =	vld [tilespmem:$0x120]  }
0x89: {  	v3 =	vor.u32 v3, v12;
	v19 =	vand.u32 $0x1FFF, v4;
	[tilespmem:$0x240] =	vst v6;
	v6 =	vshra.s32 v18, $0x2;
	v12 =	vld [tilespmem:$0xE0]  }
0x8a: {  	v2 =	vor.u32 v10, v2;
	[tilespmem:$0x200] =	vst v3;
	v3 =	vand.u32 $0xFFFFE000, v6;
	v6 =	vand.u32 $0xFFFFE000, v14  }
0x8b: {  	v10 =	vand.u32 $0x1FFF, v17;
	[tilespmem:$0x2A0] =	vst v5;
	v5 =	vand.u32 $0x1FFF, v18;
	v14 =	vand.u32 $0x1FFF, v9  }
0x8c: {  	v4 =	vshra.s32 v4, $0x2;
	v6 =	vor.u32 v10, v6;
	v10 =	vand.u32 $0xFFFFE000, v11;
	[tilespmem:$0x3A0] =	vst v1  }
0x8d: {  	v1 =	vand.u32 $0xFFFFE000, v4;
	v4 =	vshra.s32 v9, $0x2;
	[tilespmem:$0x290] =	vst v2;
	v2 =	vor.u32 v8, v10  }
0x8e: {  	v7 =	vand.u32 $0xFFFFE000, v7;
	v9 =	vand.u32 $0x1FFF, v13;
	v8 =	vshra.s32 v12, $0x2;
	[tilespmem:$0x340] =	vst v0;
	v0 =	vld [tilespmem:$0x150]  }
0x8f: {  	v7 =	vor.u32 v16, v7;
	v10 =	vshra.s32 v13, $0x2;
	v8 =	vand.u32 $0xFFFFE000, v8;
	[tilespmem:$0x2F0] =	vst v6;
	v6 =	vld [tilespmem:$0x130]  }
0x90: {  	v11 =	vand.u32 $0x1FFF, v15;
	v10 =	vand.u32 $0xFFFFE000, v10;
	[tilespmem:$0x2C0] =	vst v7;
	v7 =	vand.u32 $0x1FFF, v12  }
0x91: {  	v9 =	vor.u32 v9, v10;
	v7 =	vor.u32 v7, v8;
	[tilespmem:$0x310] =	vst v2;
	v2 =	vshra.s32 v15, $0x2;
	v8 =	vld [tilespmem:$0x160]  }
0x92: {  	v1 =	vor.u32 v19, v1;
	v4 =	vand.u32 $0xFFFFE000, v4;
	v2 =	vand.u32 $0xFFFFE000, v2;
	[tilespmem:$0x370] =	vst v9;
	v9 =	vld [tilespmem:$0x1C0]  }
0x93: {  	v3 =	vor.u32 v5, v3;
	v4 =	vor.u32 v14, v4;
	[tilespmem:$0x300] =	vst v1;
	v1 =	vshra.s32 v0, $0x2  }
0x94: {  	v0 =	vand.u32 $0x1FFF, v0;
	v5 =	vshra.s32 v6, $0x2;
	v1 =	vand.u32 $0xFFFFE000, v1;
	[tilespmem:$0x380] =	vst v4  }
0x95: {  	v4 =	vand.u32 $0x1FFF, v6;
	[tilespmem:$0x2D0] =	vst v3;
	v3 =	vand.u32 $0xFFFFE000, v5;
	v0 =	vor.u32 v0, v1  }
0x96: {  	v1 =	vor.u32 v11, v2;
	v2 =	vor.u32 v4, v3;
	[tilespmem:$0x350] =	vst v0;
	v0 =	vshra.s32 v8, $0x2  }
0x97: {  	[tilespmem:$0x320] =	vst v1;
	v0 =	vand.u32 $0xFFFFE000, v0;
	v1 =	vand.u32 $0x1FFF, v8;
	v3 =	vshra.s32 v9, $0x2  }
0x98: {  	[tilespmem:$0x2E0] =	vst v7;
	v0 =	vor.u32 v1, v0;
	v1 =	vand.u32 $0xFFFFE000, v3;
	v3 =	vand.u32 $0x1FFF, v9  }
0x99: {  	[tilespmem:$0x360] =	vst v0;
	v0 =	vor.u32 v3, v1  }
0x9a: {  	[tilespmem:$0x3C0] =	vst v0  }
0x9b: {  	[tilespmem:$0x330] =	vst v2  }
0x9c: {  	[tilespmem:s6], [sflag:$0x1] =	stream.indirect.gather [hbm4b:s5+s8], $0x80, s9, s8, $0xb8;
	[tilespmem:$0x10400] =	vst v63  }
0x9d: {  	_ = 	snop  }
0x9e: {  	[tilespmem:s11], [sflag:$0x1] =	stream.indirect.gather [hbm4b:s5+s8], $0x80, s10, s8, $0xb8;
	[tilespmem:$0x10400] =	vst v63  }
0x9f: {  	_ = 	snop  }
0xa0: {  	[tilespmem:s13], [sflag:$0x1] =	stream.indirect.gather [hbm4b:s5+s8], $0x80, s12, s8, $0xb8;
	[tilespmem:$0x10400] =	vst v63  }
0xa1: {  	_ = 	snop  }
0xa2: {  	[tilespmem:s15], [sflag:$0x1] =	stream.indirect.gather [hbm4b:s5+s8], $0x80, s14, s8, $0xb8;
	[tilespmem:$0x10400] =	vst v63  }
0xa3: {  	_ =	swait.ge [sflag:s7], $0x4000  }
0xa4: {  	[sflag:s7] =	ssyncset.done $0x0  }
0xa5: {  	[sflag:s7] =	ssyncadd.s32 $0xFFFFC000  }
0xa6: {  	_ =	swait.ge [sflag:s7], $0x4000  }
0xa7: {  	[sflag:s7] =	ssyncset.done $0x0  }
0xa8: {  	[sflag:s7] =	ssyncadd.s32 $0xFFFFC000  }
0xa9: {  	_ =	swait.ge [sflag:s7], $0x4000  }
0xaa: {  	[sflag:s7] =	ssyncset.done $0x0  }
0xab: {  	[sflag:s7] =	ssyncadd.s32 $0xFFFFC000  }
.Ltmp2:
0xac: {  	_ =	swait.ge [sflag:s7], $0x4000;
	(pc) =	sbr.rel @p1 .LBB2_2-.Ltmp2, $4  }
0xad: {  	[sflag:s7] =	ssyncset.done $0x0  }
0xae: {  	[sflag:s7] =	ssyncadd.s32 $0xFFFFC000  }
0xaf: {  	[hbm4b:s4+s2] =	stream.linear.scatter [tilespmem:s6], [sflag:$0x2], $0x10000, $0x38;
	[tilespmem:$0x10400] =	vst v63  }
0xb0: {  	_ =	swait.ge [sflag:s3], $0x10000  }
.LBB2_3:
0xb1: {  	[sflag:s3] =	ssyncset.done @p0 $0x0  }
0xb2: {  	[sflag:s3] =	ssyncadd.s32 @p0 $0xFFFF0000  }
0xb3: {  	[tilespmem:s2], [sflag:$0x2] =	stream.linear.gather [hbm4b:s16+s2], $0x200, $0x38;
	[tilespmem:$0x10400] =	vst v63  }
0xb4: {  	_ =	swait.ge [sflag:s3], $0x200  }
0xb5: {  	[sflag:s3] =	ssyncset.done $0x0  }
0xb6: {  	[sflag:s3] =	ssyncadd.s32 $0xFFFFFE00  }
0xb7: {  	v0 =	vld [tilespmem:$0x190]  }
0xb8: {  	v1 =	vld [tilespmem:$0x1A0]  }
0xb9: {  	v2 =	vld [tilespmem:$0x140]  }
0xba: {  	v3 =	vld [tilespmem:$0x1E0]  }
0xbb: {  	v4 =	vld [tilespmem:$0x1D0]  }
0xbc: {  	v7 =	vld [tilespmem:$0x1F0]  }
0xbd: {  	v8 =	vld [tilespmem:$0x80]  }
0xbe: {  	v35 =	vld [tilespmem:$0x1B0]  }
0xbf: {  	v11 =	vld [tilespmem:$0x30]  }
0xc0: {  	v37 =	vld [tilespmem:$0x70]  }
0xc1: {  	v38 =	vld [tilespmem:$0x20]  }
0xc2: {  	v15 =	vld [tilespmem:$0x60]  }
0xc3: {  	v39 =	vld [tilespmem:$0x10]  }
0xc4: {  	v17 =	vld [tilespmem:$0xB0]  }
0xc5: {  	v42 =	vld [tilespmem:$0x0];
	v5 =	vshra.s32 v0, $0x2  }
0xc6: {  	v43 =	vld [tilespmem:$0x40];
	v0 =	vand.u32 $0x1FFF, v0;
	v6 =	vshra.s32 v1, $0x2;
	v9 =	vand.u32 $0x1FFF, v2  }
0xc7: {  	v46 =	vld [tilespmem:$0x50];
	v2 =	vshra.s32 v2, $0x2;
	v1 =	vand.u32 $0x1FFF, v1;
	v10 =	vand.u32 $0x1FFF, v3  }
0xc8: {  	v51 =	vld [tilespmem:$0xC0];
	v36 =	vshra.s32 v4, $0x2;
	v3 =	vshra.s32 v3, $0x2;
	v4 =	vand.u32 $0x1FFF, v4  }
0xc9: {  	v53 =	vld [tilespmem:$0xA0];
	v12 =	vshra.s32 v7, $0x2;
	v7 =	vand.u32 $0x1FFF, v7;
	v13 =	vshra.s32 v8, $0x2  }
0xca: {  	v56 =	vld [tilespmem:$0x90];
	v8 =	vand.u32 $0x1FFF, v8;
	v14 =	vand.u32 $0x1FFF, v35;
	v16 =	vshra.s32 v11, $0x2  }
0xcb: {  	v59 =	vld [tilespmem:$0x110];
	v41 =	vshra.s32 v37, $0x2;
	v11 =	vand.u32 $0x1FFF, v11;
	v44 =	vshra.s32 v38, $0x2  }
0xcc: {  	v45 =	vand.u32 $0x1FFF, v15;
	v47 =	vshra.s32 v39, $0x2;
	v15 =	vshra.s32 v15, $0x2  }
0xcd: {  	v48 =	vand.u32 $0x1FFF, v39;
	v50 =	vand.u32 $0x1FFF, v17;
	v54 =	vshra.s32 v17, $0x2  }
0xce: {  	v55 =	vshra.s32 v42, $0x2;
	v58 =	vshra.s32 v43, $0x2;
	v60 =	vshra.s32 v46, $0x2  }
0xcf: {  	v18 =	vld [tilespmem:$0xF0];
	v63 =	vand.u32 $0x1FFF, v51;
	v21 =	vshra.s32 v53, $0x2;
	v23 =	vshra.s32 v56, $0x2  }
0xd0: {  	v22 =	vld [tilespmem:$0xD0];
	v25 =	vand.u32 $0x1FFF, v59;
	v27 =	vand.u32 $0x1FFF, v56;
	v5 =	vand.u32 $0xFFFFE000, v5  }
0xd1: {  	v26 =	vld [tilespmem:$0x180];
	v28 =	vand.u32 $0x1FFF, v53;
	v3 =	vand.u32 $0xFFFFE000, v3;
	v0 =	vor.u32 v0, v5  }
0xd2: {  	v29 =	vshra.s32 v59, $0x2;
	v13 =	vand.u32 $0xFFFFE000, v13;
	v3 =	vor.u32 v10, v3;
	[tilespmem:$0x390] =	vst v0  }
0xd3: {  	v30 =	vshra.s32 v51, $0x2;
	v12 =	vand.u32 $0xFFFFE000, v12;
	v8 =	vor.u32 v8, v13;
	[tilespmem:$0x3E0] =	vst v3  }
0xd4: {  	v32 =	vshra.s32 v18, $0x2;
	v40 =	vand.u32 $0xFFFFE000, v16;
	v7 =	vor.u32 v7, v12;
	[tilespmem:$0x280] =	vst v8  }
0xd5: {  	v33 =	vshra.s32 v22, $0x2;
	v49 =	vand.u32 $0xFFFFE000, v15;
	v10 =	vor.u32 v11, v40;
	[tilespmem:$0x3F0] =	vst v7  }
0xd6: {  	v39 =	vand.u32 $0x1FFF, v26;
	v34 =	vand.u32 $0xFFFFE000, v6;
	v12 =	vor.u32 v45, v49;
	[tilespmem:$0x230] =	vst v10  }
0xd7: {  	v61 =	vld [tilespmem:$0x100];
	v2 =	vand.u32 $0xFFFFE000, v2;
	v6 =	vshra.s32 v35, $0x2;
	v1 =	vor.u32 v1, v34;
	[tilespmem:$0x260] =	vst v12  }
0xd8: {  	v16 =	vand.u32 $0xFFFFE000, v41;
	v2 =	vor.u32 v9, v2;
	v5 =	vand.u32 $0xFFFFE000, v36;
	[tilespmem:$0x3A0] =	vst v1  }
0xd9: {  	v52 =	vand.u32 $0xFFFFE000, v47;
	v6 =	vand.u32 $0xFFFFE000, v6;
	v4 =	vor.u32 v4, v5;
	[tilespmem:$0x340] =	vst v2  }
0xda: {  	v57 =	vand.u32 $0xFFFFE000, v55;
	v9 =	vand.u32 $0x1FFF, v37;
	v6 =	vor.u32 v14, v6;
	[tilespmem:$0x3D0] =	vst v4  }
0xdb: {  	v62 =	vand.u32 $0xFFFFE000, v60;
	v24 =	vand.u32 $0xFFFFE000, v23;
	v9 =	vor.u32 v9, v16;
	[tilespmem:$0x3B0] =	vst v6  }
0xdc: {  	v41 =	vshra.s32 v61, $0x2;
	v13 =	vand.u32 $0xFFFFE000, v29;
	v7 =	vor.u32 v48, v52;
	[tilespmem:$0x270] =	vst v9  }
0xdd: {  	v31 =	vld [tilespmem:$0x170];
	v11 =	vand.u32 $0xFFFFE000, v44;
	v5 =	vand.u32 $0x1FFF, v38;
	v8 =	vor.u32 v25, v13;
	[tilespmem:$0x210] =	vst v7  }
0xde: {  	v34 =	vand.u32 $0x1FFF, v61;
	v14 =	vand.u32 $0xFFFFE000, v54;
	v5 =	vor.u32 v5, v11;
	[tilespmem:$0x310] =	vst v8  }
0xdf: {  	v36 =	vand.u32 $0xFFFFE000, v33;
	v3 =	vand.u32 $0x1FFF, v46;
	v14 =	vor.u32 v50, v14;
	[tilespmem:$0x220] =	vst v5  }
0xe0: {  	v51 =	vld [tilespmem:$0x1C0];
	v37 =	vand.u32 $0x1FFF, v22;
	v0 =	vand.u32 $0x1FFF, v42;
	v3 =	vor.u32 v3, v62;
	[tilespmem:$0x2B0] =	vst v14  }
0xe1: {  	v35 =	vld [tilespmem:$0xE0];
	v10 =	vand.u32 $0xFFFFE000, v58;
	v4 =	vand.u32 $0x1FFF, v43;
	v0 =	vor.u32 v0, v57;
	[tilespmem:$0x250] =	vst v3  }
0xe2: {  	v44 =	vshra.s32 v31, $0x2;
	v38 =	vand.u32 $0x1FFF, v18;
	v4 =	vor.u32 v4, v10;
	[tilespmem:$0x200] =	vst v0  }
0xe3: {  	v42 =	vand.u32 $0xFFFFE000, v41;
	v6 =	vand.u32 $0xFFFFE000, v32;
	v3 =	vor.u32 v27, v24;
	[tilespmem:$0x240] =	vst v4  }
0xe4: {  	v11 =	vand.u32 $0xFFFFE000, v30;
	v5 =	vand.u32 $0xFFFFE000, v21;
	v6 =	vor.u32 v38, v6;
	[tilespmem:$0x290] =	vst v3  }
0xe5: {  	v40 =	vld [tilespmem:$0x120];
	v10 =	vshra.s32 v26, $0x2;
	v9 =	vor.u32 v63, v11;
	v57 =	vshra.s32 v51, $0x2;
	[tilespmem:$0x2F0] =	vst v6  }
0xe6: {  	v46 =	vld [tilespmem:$0x130];
	v60 =	vand.u32 $0x1FFF, v51;
	v5 =	vor.u32 v28, v5;
	v45 =	vshra.s32 v35, $0x2;
	[tilespmem:$0x2C0] =	vst v9  }
0xe7: {  	v48 =	vld [tilespmem:$0x160];
	v4 =	vand.u32 $0x1FFF, v31;
	v6 =	vand.u32 $0xFFFFE000, v44;
	v3 =	vor.u32 v34, v42;
	[tilespmem:$0x2A0] =	vst v5  }
0xe8: {  	v43 =	vld [tilespmem:$0x150];
	v0 =	vand.u32 $0x1FFF, v35;
	v50 =	vand.u32 $0xFFFFE000, v10;
	v4 =	vor.u32 v4, v6;
	[tilespmem:$0x300] =	vst v3  }
0xe9: {  	v59 =	vand.u32 $0xFFFFE000, v57;
	v47 =	vand.u32 $0xFFFFE000, v45;
	v5 =	vor.u32 v37, v36;
	[tilespmem:$0x370] =	vst v4  }
0xea: {  	v49 =	vand.u32 $0x1FFF, v40;
	v1 =	vshra.s32 v40, $0x2;
	v62 =	vor.u32 v60, v59;
	[tilespmem:$0x2D0] =	vst v5  }
0xeb: {  	v4 =	vor.u32 v39, v50;
	v0 =	vor.u32 v0, v47;
	v1 =	vand.u32 $0xFFFFE000, v1;
	[tilespmem:$0x3C0] =	vst v62  }
0xec: {  	v53 =	vshra.s32 v46, $0x2;
	v54 =	vshra.s32 v48, $0x2;
	v56 =	vand.u32 $0x1FFF, v48;
	[tilespmem:$0x380] =	vst v4  }
0xed: {  	v52 =	vshra.s32 v43, $0x2;
	v1 =	vor.u32 v49, v1;
	v55 =	vand.u32 $0xFFFFE000, v54;
	[tilespmem:$0x2E0] =	vst v0  }
0xee: {  	v2 =	vand.u32 $0x1FFF, v43;
	v3 =	vand.u32 $0xFFFFE000, v52;
	[tilespmem:$0x320] =	vst v1;
	v58 =	vor.u32 v56, v55  }
0xef: {  	v61 =	vand.u32 $0x1FFF, v46;
	v2 =	vor.u32 v2, v3;
	v3 =	vand.u32 $0xFFFFE000, v53;
	[tilespmem:$0x360] =	vst v58  }
0xf0: {  	[tilespmem:$0x350] =	vst v2;
	v63 =	vor.u32 v61, v3  }
0xf1: {  	[tilespmem:$0x330] =	vst v63  }
0xf2: {  	[tilespmem:s6], [sflag:$0x1] =	stream.indirect.gather [hbm4b:s5+s8], $0x80, s9, s8, $0xb8;
	[tilespmem:$0x10400] =	vst v63  }
0xf3: {  	_ = 	snop  }
0xf4: {  	[tilespmem:s11], [sflag:$0x1] =	stream.indirect.gather [hbm4b:s5+s8], $0x80, s10, s8, $0xb8;
	[tilespmem:$0x10400] =	vst v63  }
0xf5: {  	_ = 	snop  }
0xf6: {  	[tilespmem:s13], [sflag:$0x1] =	stream.indirect.gather [hbm4b:s5+s8], $0x80, s12, s8, $0xb8;
	[tilespmem:$0x10400] =	vst v63  }
0xf7: {  	_ = 	snop  }
0xf8: {  	[tilespmem:s15], [sflag:$0x1] =	stream.indirect.gather [hbm4b:s5+s8], $0x80, s14, s8, $0xb8;
	[tilespmem:$0x10400] =	vst v63  }
0xf9: {  	_ =	swait.ge [sflag:s7], $0x4000  }
0xfa: {  	[sflag:s7] =	ssyncset.done $0x0  }
0xfb: {  	[sflag:s7] =	ssyncadd.s32 $0xFFFFC000  }
0xfc: {  	_ =	swait.ge [sflag:s7], $0x4000  }
0xfd: {  	[sflag:s7] =	ssyncset.done $0x0  }
0xfe: {  	[sflag:s7] =	ssyncadd.s32 $0xFFFFC000  }
0xff: {  	_ =	swait.ge [sflag:s7], $0x4000  }
0x100: {  	[sflag:s7] =	ssyncset.done $0x0  }
0x101: {  	[sflag:s7] =	ssyncadd.s32 $0xFFFFC000  }
0x102: {  	_ =	swait.ge [sflag:s7], $0x4000  }
0x103: {  	[sflag:s7] =	ssyncset.done $0x0  }
0x104: {  	[sflag:s7] =	ssyncadd.s32 $0xFFFFC000  }
0x105: {  	[hbm4b:s4+s2] =	stream.linear.scatter [tilespmem:s6], [sflag:$0x2], $0x10000, $0x38;
	[tilespmem:$0x10400] =	vst v63  }
0x106: {  	_ =	swait.ge [sflag:s3], $0x10000  }
0x107: {  	[sflag:s3] =	ssyncset.done $0x0  }
0x108: {  	[sflag:s3] =	ssyncadd.s32 $0xFFFF0000  }
0x109: {  	_ =	sfence.sel $0x180000  }
0x10a: {  	[bflag:$0x0] =	sbarrier.arrive $0xFFFF  }
0x10b: {  	p0 =	sne.s32 s1, $0x0;
	_ =	strace $0x90000047  }
0x10c: {  	s0 =	sadd.s32 @!p0 $0x100000, s0;
	[bflag:$0x2] =	sbarrier.arrive $0xFFFF  }
0x10d: {  	[sflag:s0] =	ssyncadd.tile.s32 @!p0 $0x1;
	_ =	shalt  }
.Lfunc_end2:
_tile_overlayer_lowered:
.L_overlay_start_2:
0x10e: {  	(tag) =	ssettag $0x2  }
0x10f: {  	s0 =	rddreg [dreg:$0x0];
	s2 =	stileid.u32  }
0x110: {  	s1 =	rddreg [dreg:$0x1];
	p0 =	sne.s32 s2, $0x0  }
0x111: {  	s3 =	rddreg [dreg:$0x2];
	[bflag:$0x3] =	sbarrier.arrive $0xFFFF;
	s2 =	simm.s32 @!p0 $0x1C02  }
0x112: {  	[timem:s3], [sflag:s2] =	dma.local @!p0 [hbm:s0], s1  }
0x113: {  	s0 =	simm.s32 @!p0 $0x2  }
0x114: {  	_ =	swait.ge @!p0 [sflag:s0], s1  }
0x115: {  	s1 =	ssub.s32 @!p0 $0x0, s1;
	[sflag:s0] =	ssyncset.done @!p0 $0x0  }
0x116: {  	[sflag:s0] =	ssyncadd.s32 @!p0 s1  }
0x117: {  	[bflag:$0x3] =	sbarrier.arrive $0xFFFF  }
0x118: {  	_ =	shalt  }

</sc_bundles>
